<compile_context>
chip_gen: v7x
topology: tpu7x:2x2x1
jax: 0.10.2.dev20260603
libtpu: 0.0.44.dev20260713+nightly
codegen_flags: <defaults>
</compile_context>

<pallas_src>
import functools

import jax
import jax.numpy as jnp
from jax import lax
from jax.experimental import pallas as pl
from jax.experimental.pallas import tpu as pltpu
from jax.experimental.pallas import tpu_sc as plsc

_Q_MIN = 0.01
_N = 100000
_LANES = 128
_ROWS = 784
_NPAD = _ROWS * _LANES

_NTILES = 16
_CHUNK = _NPAD // _NTILES
_VREGS = _CHUNK // 16
_NPID = 64
_BIGIDX = 1 << 30


def _sc_argmax_kernel(beta_hbm, pid_hbm, table_hbm, rows_out, bmax_out,
                      beta_v, pid_v, bmax_v, bidx_v, stage_m_v, stage_i_v,
                      rows_v, shared_m, shared_i, sem):
    cid = lax.axis_index("c")
    sid = lax.axis_index("s")

    @pl.when(cid == 0)
    def _work():
        base = sid * _CHUNK
        pltpu.sync_copy(beta_hbm.at[pl.ds(base, _CHUNK)], beta_v)
        pltpu.sync_copy(pid_hbm.at[pl.ds(base, _CHUNK)], pid_v)

        for k in range(_NPID // 16):
            bmax_v[pl.ds(k * 16, 16)] = jnp.full((16,), -1.0, jnp.float32)
            bidx_v[pl.ds(k * 16, 16)] = jnp.full((16,), _BIGIDX, jnp.int32)

        lane = lax.broadcasted_iota(jnp.int32, (16,), 0)

        def p1_body(j, carry):
            b = beta_v[pl.ds(j * 16, 16)]
            p = pid_v[pl.ds(j * 16, 16)]

            def retry(_go):
                m = plsc.load_gather(bmax_v, [p])
                need = b > m
                plsc.store_scatter(bmax_v, [p], b, mask=need)
                m2 = plsc.load_gather(bmax_v, [p])
                return jnp.any(b > m2)

            m0 = plsc.load_gather(bmax_v, [p])
            lax.while_loop(lambda go: go, retry, jnp.any(b > m0))
            return carry

        lax.fori_loop(0, _VREGS, p1_body, jnp.int32(0))

        def p2_body(j, carry):
            b = beta_v[pl.ds(j * 16, 16)]
            p = pid_v[pl.ds(j * 16, 16)]
            idxv = base + j * 16 + lane
            m = plsc.load_gather(bmax_v, [p])
            eq = b == m

            def retry(_go):
                cur = plsc.load_gather(bidx_v, [p])
                cand = jnp.logical_and(eq, idxv < cur)
                plsc.store_scatter(bidx_v, [p], idxv, mask=cand)
                cur2 = plsc.load_gather(bidx_v, [p])
                return jnp.any(jnp.logical_and(eq, idxv < cur2))

            cur0 = plsc.load_gather(bidx_v, [p])
            lax.while_loop(lambda go: go, retry,
                           jnp.any(jnp.logical_and(eq, idxv < cur0)))
            return carry

        lax.fori_loop(0, _VREGS, p2_body, jnp.int32(0))

        pltpu.sync_copy(bmax_v, shared_m.at[sid])
        pltpu.sync_copy(bidx_v, shared_i.at[sid])

    plsc.subcore_barrier()

    @pl.when(jnp.logical_and(cid == 0, sid == 0))
    def _merge():
        pltpu.sync_copy(shared_m, stage_m_v)
        pltpu.sync_copy(shared_i, stage_i_v)
        for k in range(_NPID // 16):
            sl = pl.ds(k * 16, 16)
            fm = stage_m_v[0, sl]
            fi = stage_i_v[0, sl]
            for t in range(1, _NTILES):
                tm = stage_m_v[t, sl]
                ti = stage_i_v[t, sl]
                upd = jnp.logical_or(
                    tm > fm, jnp.logical_and(tm == fm, ti < fi))
                fm = jnp.where(upd, tm, fm)
                fi = jnp.where(upd, ti, fi)
            fi = jnp.where(fm > -0.5, fi, 0)
            bmax_v[sl] = fm
            bidx_v[sl] = fi
        pltpu.sync_copy(bmax_v, bmax_out)
        pltpu.sync_copy(rows_v, rows_out)


_sc_argmax = functools.partial(
    pl.kernel,
    out_type=[
        jax.ShapeDtypeStruct((_NPID, 8), jnp.float32),
        jax.ShapeDtypeStruct((_NPID,), jnp.float32),
    ],
    mesh=plsc.VectorSubcoreMesh(core_axis_name="c", subcore_axis_name="s"),
    compiler_params=pltpu.CompilerParams(needs_layout_passes=False),
    scratch_types=[
        pltpu.VMEM((_CHUNK,), jnp.float32),
        pltpu.VMEM((_CHUNK,), jnp.int32),
        pltpu.VMEM((_NPID,), jnp.float32),
        pltpu.VMEM((_NPID,), jnp.int32),
        pltpu.VMEM((_NTILES, _NPID), jnp.float32),
        pltpu.VMEM((_NTILES, _NPID), jnp.int32),
        pltpu.VMEM((_NPID, 8), jnp.float32),
        pltpu.VMEM_SHARED((_NTILES, _NPID), jnp.float32),
        pltpu.VMEM_SHARED((_NTILES, _NPID), jnp.int32),
        pltpu.SemaphoreType.DMA,
    ],
)(_sc_argmax_kernel)


def _tc_loss_kernel(beta_ref, pid_ref, x0_ref, x1_ref, x2_ref,
                    a0_ref, a1_ref, a2_ref, ba_ref, bm_ref, out_ref):
    beta = beta_ref[...]
    pid = pid_ref[...]
    x0 = x0_ref[...]
    x1 = x1_ref[...]
    x2 = x2_ref[...]

    at = 0.5 * jnp.log((1.0 + beta) / (1.0 - beta))
    q = at * at + _Q_MIN
    ridx = lax.broadcasted_iota(jnp.int32, (_ROWS, _LANES), 0)
    cidx = lax.broadcasted_iota(jnp.int32, (_ROWS, _LANES), 1)
    valid = (ridx * _LANES + cidx) < _N
    q = jnp.where(valid, q, 0.0)

    ba = ba_ref[...]
    ata = 0.5 * jnp.log((1.0 + ba) / (1.0 - ba))
    qa_vec = jnp.where(bm_ref[...] > -0.5, ata * ata + _Q_MIN, 0.0)
    a0v = a0_ref[...]
    a1v = a1_ref[...]
    a2v = a2_ref[...]
    lane = lax.broadcasted_iota(jnp.int32, (1, _NPID), 1)

    def body(p, acc):
        onep = lane == p
        qa = jnp.sum(jnp.where(onep, qa_vec, 0.0))
        a0 = jnp.sum(jnp.where(onep, a0v, 0.0))
        a1 = jnp.sum(jnp.where(onep, a1v, 0.0))
        a2 = jnp.sum(jnp.where(onep, a2v, 0.0))
        d0 = x0 - a0
        d1 = x1 - a1
        d2c = x2 - a2
        dist2 = d0 * d0 + d1 * d1 + d2c * d2c
        norm = jnp.sqrt(dist2)
        rep = jnp.maximum(1.0 - norm, 0.0)
        val = jnp.where(pid == p, dist2, 10.0 * rep)
        return acc + qa * jnp.sum(q * val)

    total = lax.fori_loop(1, 50, body, jnp.float32(0.0))
    out_ref[0, 0] = total * (1.0 / _N)


def kernel(w, beta, x, y, particle_id):
    del w, y
    pid = particle_id.reshape(-1).astype(jnp.int32)
    pad = _NPAD - _N
    beta_flat = jnp.pad(beta, (0, pad))
    pid_flat = jnp.pad(pid, (0, pad))
    x_p = jnp.pad(x.astype(jnp.float32), ((0, pad), (0, 5)))
    table = x_p.at[:_N, 3].set(beta)

    rows, bmax = _sc_argmax(beta_flat, pid_flat, table)

    beta_p = beta_flat.reshape(_ROWS, _LANES)
    pid_p = pid_flat.reshape(_ROWS, _LANES)
    x0 = x_p[:, 0].reshape(_ROWS, _LANES)
    x1 = x_p[:, 1].reshape(_ROWS, _LANES)
    x2 = x_p[:, 2].reshape(_ROWS, _LANES)
    a0v = rows[:, 0].reshape(1, _NPID)
    a1v = rows[:, 1].reshape(1, _NPID)
    a2v = rows[:, 2].reshape(1, _NPID)
    bav = rows[:, 3].reshape(1, _NPID)
    bmv = bmax.reshape(1, _NPID)

    out = pl.pallas_call(
        _tc_loss_kernel,
        out_shape=jax.ShapeDtypeStruct((1, 1), jnp.float32),
        in_specs=[pl.BlockSpec((_ROWS, _LANES), lambda: (0, 0))] * 5
        + [pl.BlockSpec((1, _NPID), lambda: (0, 0))] * 5,
        out_specs=pl.BlockSpec(memory_space=pltpu.SMEM),
    )(beta_p, pid_p, x0, x1, x2, a0v, a1v, a2v, bav, bmv)
    return out[0, 0]

# --- scband reference (transcript-rebuilt; emitter-appended) ---
"""Pipeline reference for scband-potential-loss-88570815578429 (READ-ONLY COPY).

The authoritative reference and input builder live on the scoring server;
editing this copy changes nothing except your own understanding.
"""

import jax, jax.numpy as jnp
import numpy as np

Q_MIN = 0.01
N_PIDS = 50


def setup_inputs(seed: int = 0) -> dict:
    key = jax.random.key(seed)
    k1, k2, k3, k4, k5 = jax.random.split(key, 5)
    N = 100000
    w = jax.random.normal(k1, (N,), dtype=jnp.float32)
    beta = jax.random.uniform(k2, (N,), dtype=jnp.float32)
    x = jax.random.normal(k3, (N, 3), dtype=jnp.float32)
    y = jax.random.normal(k4, (N,), dtype=jnp.float32)
    particle_id = jax.random.randint(k5, (N, 1), 0, N_PIDS).astype(jnp.int64)
    return {"w": w, "beta": beta, "x": x, "y": y, "particle_id": particle_id}


def reference(w, beta, x, y, particle_id):
    # condensation_loss(beta, x, particle_id, q_min=Q_MIN)
    pid = particle_id.squeeze(-1)
    q = jnp.arctanh(beta) ** 2 + Q_MIN
    loss = jnp.float32(0.0)
    for p in range(1, N_PIDS):  # pid == 0 is skipped, matching torch.unique loop
        M = pid == p
        present = jnp.any(M)
        # alpha = argmax of q restricted to this pid (q > 0 always, so -1 sentinel is safe)
        masked_q = jnp.where(M, q, jnp.float32(-1.0))
        alpha = jnp.argmax(masked_q)
        q_alpha = q[alpha]
        x_alpha = x[alpha]
        norm = jnp.linalg.norm(x - x_alpha, axis=1)
        va = (norm ** 2) * q_alpha
        vr = jnp.maximum(jnp.zeros_like(norm), 1.0 - norm) * q_alpha
        Mf = M.astype(jnp.float32)
        term = jnp.mean(q * (Mf * va + 10.0 * (1.0 - Mf) * vr))
        loss = loss + jnp.where(present, term, jnp.float32(0.0))
    return loss

if __name__ == "__main__":
    import jax
    _d = setup_inputs()
    print(jax.jit(kernel)(*tuple(_d.values())))

</pallas_src>

<mosaic_0001>
#map = affine_map<(d0, d1) -> (0)>
#map1 = affine_map<(d0, d1) -> (0, 0)>
module attributes {stable_mosaic.version = 14 : i64} {
  func.func @_sc_argmax_kernel(%arg0: i32, %arg1: i32, %arg2: memref<100352xf32, #tpu.memory_space<hbm>>, %arg3: memref<100352xi32, #tpu.memory_space<hbm>>, %arg4: memref<100352x8xf32, #tpu.memory_space<hbm>>, %arg5: memref<64x8xf32, #tpu.memory_space<hbm>>, %arg6: memref<64xf32, #tpu.memory_space<hbm>>, %arg7: memref<6272xf32, #tpu.memory_space<vmem>>, %arg8: memref<6272xi32, #tpu.memory_space<vmem>>, %arg9: memref<64xf32, #tpu.memory_space<vmem>>, %arg10: memref<64xi32, #tpu.memory_space<vmem>>, %arg11: memref<16x64xf32, #tpu.memory_space<vmem>>, %arg12: memref<16x64xi32, #tpu.memory_space<vmem>>, %arg13: memref<64x8xf32, #tpu.memory_space<vmem>>, %arg14: memref<16x64xf32, #tpu.memory_space<vmem_shared>>, %arg15: memref<16x64xi32, #tpu.memory_space<vmem_shared>>, %arg16: memref<!tpu.dma_semaphore, #tpu.memory_space<semaphore_mem>>) attributes {dimension_semantics = [#tpu.dimension_semantics<core_parallel>, #tpu.dimension_semantics<subcore_parallel>], iteration_bounds = array<i64: 2, 16>, scalar_prefetch = 0 : i64, scratch_operands = 10 : i64, tpu.core_type = #tpu.core_type<sc_vector_subcore>, window_params = [{transform_indices = #map}, {transform_indices = #map}, {transform_indices = #map1}, {transform_indices = #map1}, {transform_indices = #map}]} {
    %eq3A = arith.constant 0 : i32
    %eq3A_0 = arith.cmpi eq, %arg0, %eq3A : i32
    %convert_element_type3A = arith.extui %eq3A_0 : i1 to i32
    %cond3A = arith.constant 0 : i32
    %cond3A_1 = arith.cmpi ne, %convert_element_type3A, %cond3A : i32
    scf.if %cond3A_1 {
      %mul3A = arith.constant 6272 : i32
      %mul3A_9 = arith.muli %arg1, %mul3A : i32
      "tpu.region"() ({
        %run_scoped3A = tpu.sem_alloc : memref<!tpu.dma_semaphore, #tpu.memory_space<semaphore_mem>>
        %dma_start3A = tpu.memref_slice %arg2[%mul3A_9] : memref<100352xf32, #tpu.memory_space<hbm>> -> memref<6272xf32, #tpu.memory_space<hbm>>
        %dma_start3A_51 = tpu.memref_slice %arg2[%mul3A_9] : memref<100352xf32, #tpu.memory_space<hbm>> -> memref<6272xf32, #tpu.memory_space<hbm>>
        tpu.enqueue_dma source(%dma_start3A_51 : memref<6272xf32, #tpu.memory_space<hbm>>) target(%arg7 : memref<6272xf32, #tpu.memory_space<vmem>>) target_semaphore(%run_scoped3A : memref<!tpu.dma_semaphore, #tpu.memory_space<semaphore_mem>>)
        %dma_wait3A = tpu.memref_slice %arg2[%mul3A_9] : memref<100352xf32, #tpu.memory_space<hbm>> -> memref<6272xf32, #tpu.memory_space<hbm>>
        %dma_wait3A_52 = tpu.memref_slice %arg2[%mul3A_9] : memref<100352xf32, #tpu.memory_space<hbm>> -> memref<6272xf32, #tpu.memory_space<hbm>>
        tpu.wait_dma2 semaphore(%run_scoped3A : memref<!tpu.dma_semaphore, #tpu.memory_space<semaphore_mem>>) src(%dma_wait3A_52 : memref<6272xf32, #tpu.memory_space<hbm>>) dst(%arg7 : memref<6272xf32, #tpu.memory_space<vmem>>)
        tpu.yield
      }) : () -> ()
      "tpu.region"() ({
        %run_scoped3A = tpu.sem_alloc : memref<!tpu.dma_semaphore, #tpu.memory_space<semaphore_mem>>
        %dma_start3A = tpu.memref_slice %arg3[%mul3A_9] : memref<100352xi32, #tpu.memory_space<hbm>> -> memref<6272xi32, #tpu.memory_space<hbm>>
        %dma_start3A_51 = tpu.memref_slice %arg3[%mul3A_9] : memref<100352xi32, #tpu.memory_space<hbm>> -> memref<6272xi32, #tpu.memory_space<hbm>>
        tpu.enqueue_dma source(%dma_start3A_51 : memref<6272xi32, #tpu.memory_space<hbm>>) target(%arg8 : memref<6272xi32, #tpu.memory_space<vmem>>) target_semaphore(%run_scoped3A : memref<!tpu.dma_semaphore, #tpu.memory_space<semaphore_mem>>)
        %dma_wait3A = tpu.memref_slice %arg3[%mul3A_9] : memref<100352xi32, #tpu.memory_space<hbm>> -> memref<6272xi32, #tpu.memory_space<hbm>>
        %dma_wait3A_52 = tpu.memref_slice %arg3[%mul3A_9] : memref<100352xi32, #tpu.memory_space<hbm>> -> memref<6272xi32, #tpu.memory_space<hbm>>
        tpu.wait_dma2 semaphore(%run_scoped3A : memref<!tpu.dma_semaphore, #tpu.memory_space<semaphore_mem>>) src(%dma_wait3A_52 : memref<6272xi32, #tpu.memory_space<hbm>>) dst(%arg8 : memref<6272xi32, #tpu.memory_space<vmem>>)
        tpu.yield
      }) : () -> ()
      %broadcast_in_dim3A = arith.constant -1.000000e+00 : f32
      %broadcast_in_dim3A_10 = vector.broadcast %broadcast_in_dim3A : f32 to vector<16xf32>
      %swap3A = arith.constant 0 : index
      %swap3A_11 = tpu.vector_load %arg9[%swap3A] {strides = array<i32>} : memref<64xf32, #tpu.memory_space<vmem>>, vector<16xf32>,
      tpu.vector_store %arg9[%swap3A], %broadcast_in_dim3A_10 {strides = array<i32>} : memref<64xf32, #tpu.memory_space<vmem>>, vector<16xf32>,
      %broadcast_in_dim3A_12 = arith.constant 1073741824 : i32
      %broadcast_in_dim3A_13 = vector.broadcast %broadcast_in_dim3A_12 : i32 to vector<16xi32>
      %swap3A_14 = arith.constant 0 : index
      %swap3A_15 = tpu.vector_load %arg10[%swap3A_14] {strides = array<i32>} : memref<64xi32, #tpu.memory_space<vmem>>, vector<16xi32>,
      tpu.vector_store %arg10[%swap3A_14], %broadcast_in_dim3A_13 {strides = array<i32>} : memref<64xi32, #tpu.memory_space<vmem>>, vector<16xi32>,
      %broadcast_in_dim3A_16 = arith.constant -1.000000e+00 : f32
      %broadcast_in_dim3A_17 = vector.broadcast %broadcast_in_dim3A_16 : f32 to vector<16xf32>
      %swap3A_18 = arith.constant 16 : index
      %swap3A_19 = tpu.vector_load %arg9[%swap3A_18] {strides = array<i32>} : memref<64xf32, #tpu.memory_space<vmem>>, vector<16xf32>,
      tpu.vector_store %arg9[%swap3A_18], %broadcast_in_dim3A_17 {strides = array<i32>} : memref<64xf32, #tpu.memory_space<vmem>>, vector<16xf32>,
      %broadcast_in_dim3A_20 = arith.constant 1073741824 : i32
      %broadcast_in_dim3A_21 = vector.broadcast %broadcast_in_dim3A_20 : i32 to vector<16xi32>
      %swap3A_22 = arith.constant 16 : index
      %swap3A_23 = tpu.vector_load %arg10[%swap3A_22] {strides = array<i32>} : memref<64xi32, #tpu.memory_space<vmem>>, vector<16xi32>,
      tpu.vector_store %arg10[%swap3A_22], %broadcast_in_dim3A_21 {strides = array<i32>} : memref<64xi32, #tpu.memory_space<vmem>>, vector<16xi32>,
      %broadcast_in_dim3A_24 = arith.constant -1.000000e+00 : f32
      %broadcast_in_dim3A_25 = vector.broadcast %broadcast_in_dim3A_24 : f32 to vector<16xf32>
      %swap3A_26 = arith.constant 32 : index
      %swap3A_27 = tpu.vector_load %arg9[%swap3A_26] {strides = array<i32>} : memref<64xf32, #tpu.memory_space<vmem>>, vector<16xf32>,
      tpu.vector_store %arg9[%swap3A_26], %broadcast_in_dim3A_25 {strides = array<i32>} : memref<64xf32, #tpu.memory_space<vmem>>, vector<16xf32>,
      %broadcast_in_dim3A_28 = arith.constant 1073741824 : i32
      %broadcast_in_dim3A_29 = vector.broadcast %broadcast_in_dim3A_28 : i32 to vector<16xi32>
      %swap3A_30 = arith.constant 32 : index
      %swap3A_31 = tpu.vector_load %arg10[%swap3A_30] {strides = array<i32>} : memref<64xi32, #tpu.memory_space<vmem>>, vector<16xi32>,
      tpu.vector_store %arg10[%swap3A_30], %broadcast_in_dim3A_29 {strides = array<i32>} : memref<64xi32, #tpu.memory_space<vmem>>, vector<16xi32>,
      %broadcast_in_dim3A_32 = arith.constant -1.000000e+00 : f32
      %broadcast_in_dim3A_33 = vector.broadcast %broadcast_in_dim3A_32 : f32 to vector<16xf32>
      %swap3A_34 = arith.constant 48 : index
      %swap3A_35 = tpu.vector_load %arg9[%swap3A_34] {strides = array<i32>} : memref<64xf32, #tpu.memory_space<vmem>>, vector<16xf32>,
      tpu.vector_store %arg9[%swap3A_34], %broadcast_in_dim3A_33 {strides = array<i32>} : memref<64xf32, #tpu.memory_space<vmem>>, vector<16xf32>,
      %broadcast_in_dim3A_36 = arith.constant 1073741824 : i32
      %broadcast_in_dim3A_37 = vector.broadcast %broadcast_in_dim3A_36 : i32 to vector<16xi32>
      %swap3A_38 = arith.constant 48 : index
      %swap3A_39 = tpu.vector_load %arg10[%swap3A_38] {strides = array<i32>} : memref<64xi32, #tpu.memory_space<vmem>>, vector<16xi32>,
      tpu.vector_store %arg10[%swap3A_38], %broadcast_in_dim3A_37 {strides = array<i32>} : memref<64xi32, #tpu.memory_space<vmem>>, vector<16xi32>,
      %iota3A = tpu.iota {dimensions = array<i32: 0>} : vector<16xi32>
      %scan3A = arith.constant 0 : i32
      %scan3A_40 = arith.constant 0 : i32
      %scan3A_41 = arith.constant 392 : i32
      %scan3A_42 = arith.addi %scan3A_40, %scan3A_41 : i32
      %scan3A_43 = arith.constant 1 : i32
      scf.for %scan3A_51 = %scan3A_40 to %scan3A_42 step %scan3A_43  : i32 {
        %mul3A_52 = arith.constant 16 : i32
        %mul3A_53 = arith.muli %scan3A_51, %mul3A_52 : i32
        %get3A = arith.index_cast %mul3A_53 : i32 to index
        %get3A_54 = tpu.vector_load %arg7[%get3A] {strides = array<i32>} : memref<6272xf32, #tpu.memory_space<vmem>>, vector<16xf32>,
        %mul3A_55 = arith.constant 16 : i32
        %mul3A_56 = arith.muli %scan3A_51, %mul3A_55 : i32
        %get3A_57 = arith.index_cast %mul3A_56 : i32 to index
        %get3A_58 = tpu.vector_load %arg8[%get3A_57] {strides = array<i32>} : memref<6272xi32, #tpu.memory_space<vmem>>, vector<16xi32>,
        %gather3A = tpu.vector_load_idx %arg9[%get3A_58] : memref<64xf32, #tpu.memory_space<vmem>>[vector<16xi32>], vector<16xf32>,
        %gt3A = arith.cmpf ogt, %get3A_54, %gather3A : vector<16xf32>
        %reduce_or3A = arith.constant 1.000000e+00 : f32
        %reduce_or3A_59 = arith.constant 0.000000e+00 : f32
        %reduce_or3A_60 = vector.broadcast %reduce_or3A : f32 to vector<16xf32>
        %reduce_or3A_61 = vector.broadcast %reduce_or3A_59 : f32 to vector<16xf32>
        %reduce_or3A_62 = arith.select %gt3A, %reduce_or3A_60, %reduce_or3A_61 : vector<16xi1>, vector<16xf32>
        %reduce_or3A_63 = arith.constant true
        %reduce_or3A_64 = vector.broadcast %reduce_or3A_63 : i1 to vector<16xi1>
        %reduce_or3A_65 = tpu.scan <max>, %reduce_or3A_62 masked %reduce_or3A_64 : vector<16xf32>, vector<16xi1> -> vector<16xf32>
        %reduce_or3A_66 = vector.extract %reduce_or3A_65[15] : f32 from vector<16xf32>
        %reduce_or3A_67 = arith.constant 0.000000e+00 : f32
        %reduce_or3A_68 = arith.cmpf ogt, %reduce_or3A_66, %reduce_or3A_67 : f32
        %while3A = scf.while (%while3A_69 = %reduce_or3A_68) : (i1) -> i1 {
          scf.condition(%while3A_69) %while3A_69 : i1
        } do {
        ^bb0(%while3A_69: i1):
          %gather3A_70 = tpu.vector_load_idx %arg9[%get3A_58] : memref<64xf32, #tpu.memory_space<vmem>>[vector<16xi32>], vector<16xf32>,
          %gt3A_71 = arith.cmpf ogt, %get3A_54, %gather3A_70 : vector<16xf32>
          tpu.vector_store_idx %arg9[%get3A_58], %get3A_54 masked %gt3A_71 : memref<64xf32, #tpu.memory_space<vmem>>[vector<16xi32>], vector<16xf32>, vector<16xi1>
          %gather3A_72 = tpu.vector_load_idx %arg9[%get3A_58] : memref<64xf32, #tpu.memory_space<vmem>>[vector<16xi32>], vector<16xf32>,
          %gt3A_73 = arith.cmpf ogt, %get3A_54, %gather3A_72 : vector<16xf32>
          %reduce_or3A_74 = arith.constant 1.000000e+00 : f32
          %reduce_or3A_75 = arith.constant 0.000000e+00 : f32
          %reduce_or3A_76 = vector.broadcast %reduce_or3A_74 : f32 to vector<16xf32>
          %reduce_or3A_77 = vector.broadcast %reduce_or3A_75 : f32 to vector<16xf32>
          %reduce_or3A_78 = arith.select %gt3A_73, %reduce_or3A_76, %reduce_or3A_77 : vector<16xi1>, vector<16xf32>
          %reduce_or3A_79 = arith.constant true
          %reduce_or3A_80 = vector.broadcast %reduce_or3A_79 : i1 to vector<16xi1>
          %reduce_or3A_81 = tpu.scan <max>, %reduce_or3A_78 masked %reduce_or3A_80 : vector<16xf32>, vector<16xi1> -> vector<16xf32>
          %reduce_or3A_82 = vector.extract %reduce_or3A_81[15] : f32 from vector<16xf32>
          %reduce_or3A_83 = arith.constant 0.000000e+00 : f32
          %reduce_or3A_84 = arith.cmpf ogt, %reduce_or3A_82, %reduce_or3A_83 : f32
          scf.yield %reduce_or3A_84 : i1
        }
      }
      %scan3A_44 = arith.constant 392 : i32
      %scan3A_45 = arith.constant 0 : i32
      %scan3A_46 = arith.constant 0 : i32
      %scan3A_47 = arith.constant 392 : i32
      %scan3A_48 = arith.addi %scan3A_46, %scan3A_47 : i32
      %scan3A_49 = arith.constant 1 : i32
      scf.for %scan3A_51 = %scan3A_46 to %scan3A_48 step %scan3A_49  : i32 {
        %mul3A_52 = arith.constant 16 : i32
        %mul3A_53 = arith.muli %scan3A_51, %mul3A_52 : i32
        %get3A = arith.index_cast %mul3A_53 : i32 to index
        %get3A_54 = tpu.vector_load %arg7[%get3A] {strides = array<i32>} : memref<6272xf32, #tpu.memory_space<vmem>>, vector<16xf32>,
        %mul3A_55 = arith.constant 16 : i32
        %mul3A_56 = arith.muli %scan3A_51, %mul3A_55 : i32
        %get3A_57 = arith.index_cast %mul3A_56 : i32 to index
        %get3A_58 = tpu.vector_load %arg8[%get3A_57] {strides = array<i32>} : memref<6272xi32, #tpu.memory_space<vmem>>, vector<16xi32>,
        %mul3A_59 = arith.constant 16 : i32
        %mul3A_60 = arith.muli %scan3A_51, %mul3A_59 : i32
        %add3A = arith.addi %mul3A_9, %mul3A_60 : i32
        %add3A_61 = vector.broadcast %add3A : i32 to vector<16xi32>
        %add3A_62 = arith.addi %add3A_61, %iota3A : vector<16xi32>
        %gather3A = tpu.vector_load_idx %arg9[%get3A_58] : memref<64xf32, #tpu.memory_space<vmem>>[vector<16xi32>], vector<16xf32>,
        %eq3A_63 = arith.cmpf oeq, %get3A_54, %gather3A : vector<16xf32>
        %gather3A_64 = tpu.vector_load_idx %arg10[%get3A_58] : memref<64xi32, #tpu.memory_space<vmem>>[vector<16xi32>], vector<16xi32>,
        %lt3A = arith.cmpi slt, %add3A_62, %gather3A_64 : vector<16xi32>
        %and3A_65 = arith.andi %eq3A_63, %lt3A : vector<16xi1>
        %reduce_or3A = arith.constant 1.000000e+00 : f32
        %reduce_or3A_66 = arith.constant 0.000000e+00 : f32
        %reduce_or3A_67 = vector.broadcast %reduce_or3A : f32 to vector<16xf32>
        %reduce_or3A_68 = vector.broadcast %reduce_or3A_66 : f32 to vector<16xf32>
        %reduce_or3A_69 = arith.select %and3A_65, %reduce_or3A_67, %reduce_or3A_68 : vector<16xi1>, vector<16xf32>
        %reduce_or3A_70 = arith.constant true
        %reduce_or3A_71 = vector.broadcast %reduce_or3A_70 : i1 to vector<16xi1>
        %reduce_or3A_72 = tpu.scan <max>, %reduce_or3A_69 masked %reduce_or3A_71 : vector<16xf32>, vector<16xi1> -> vector<16xf32>
        %reduce_or3A_73 = vector.extract %reduce_or3A_72[15] : f32 from vector<16xf32>
        %reduce_or3A_74 = arith.constant 0.000000e+00 : f32
        %reduce_or3A_75 = arith.cmpf ogt, %reduce_or3A_73, %reduce_or3A_74 : f32
        %while3A = scf.while (%while3A_76 = %reduce_or3A_75) : (i1) -> i1 {
          scf.condition(%while3A_76) %while3A_76 : i1
        } do {
        ^bb0(%while3A_76: i1):
          %gather3A_77 = tpu.vector_load_idx %arg10[%get3A_58] : memref<64xi32, #tpu.memory_space<vmem>>[vector<16xi32>], vector<16xi32>,
          %lt3A_78 = arith.cmpi slt, %add3A_62, %gather3A_77 : vector<16xi32>
          %and3A_79 = arith.andi %eq3A_63, %lt3A_78 : vector<16xi1>
          tpu.vector_store_idx %arg10[%get3A_58], %add3A_62 masked %and3A_79 : memref<64xi32, #tpu.memory_space<vmem>>[vector<16xi32>], vector<16xi32>, vector<16xi1>
          %gather3A_80 = tpu.vector_load_idx %arg10[%get3A_58] : memref<64xi32, #tpu.memory_space<vmem>>[vector<16xi32>], vector<16xi32>,
          %lt3A_81 = arith.cmpi slt, %add3A_62, %gather3A_80 : vector<16xi32>
          %and3A_82 = arith.andi %eq3A_63, %lt3A_81 : vector<16xi1>
          %reduce_or3A_83 = arith.constant 1.000000e+00 : f32
          %reduce_or3A_84 = arith.constant 0.000000e+00 : f32
          %reduce_or3A_85 = vector.broadcast %reduce_or3A_83 : f32 to vector<16xf32>
          %reduce_or3A_86 = vector.broadcast %reduce_or3A_84 : f32 to vector<16xf32>
          %reduce_or3A_87 = arith.select %and3A_82, %reduce_or3A_85, %reduce_or3A_86 : vector<16xi1>, vector<16xf32>
          %reduce_or3A_88 = arith.constant true
          %reduce_or3A_89 = vector.broadcast %reduce_or3A_88 : i1 to vector<16xi1>
          %reduce_or3A_90 = tpu.scan <max>, %reduce_or3A_87 masked %reduce_or3A_89 : vector<16xf32>, vector<16xi1> -> vector<16xf32>
          %reduce_or3A_91 = vector.extract %reduce_or3A_90[15] : f32 from vector<16xf32>
          %reduce_or3A_92 = arith.constant 0.000000e+00 : f32
          %reduce_or3A_93 = arith.cmpf ogt, %reduce_or3A_91, %reduce_or3A_92 : f32
          scf.yield %reduce_or3A_93 : i1
        }
      }
      %scan3A_50 = arith.constant 392 : i32
      "tpu.region"() ({
        %run_scoped3A = tpu.sem_alloc : memref<!tpu.dma_semaphore, #tpu.memory_space<semaphore_mem>>
        %dma_start3A = arith.constant 0 : i32
        %dma_start3A_51 = tpu.memref_slice %arg14[%arg1, %dma_start3A] : memref<16x64xf32, #tpu.memory_space<vmem_shared>> -> memref<1x64xf32, #tpu.memory_space<vmem_shared>>
        %dma_start3A_52 = tpu.memref_squeeze %dma_start3A_51 : memref<1x64xf32, #tpu.memory_space<vmem_shared>> -> memref<64xf32, #tpu.memory_space<vmem_shared>>
        %dma_start3A_53 = arith.constant 0 : i32
        %dma_start3A_54 = tpu.memref_slice %arg14[%arg1, %dma_start3A_53] : memref<16x64xf32, #tpu.memory_space<vmem_shared>> -> memref<1x64xf32, #tpu.memory_space<vmem_shared>>
        %dma_start3A_55 = tpu.memref_squeeze %dma_start3A_54 : memref<1x64xf32, #tpu.memory_space<vmem_shared>> -> memref<64xf32, #tpu.memory_space<vmem_shared>>
        tpu.enqueue_dma source(%arg9 : memref<64xf32, #tpu.memory_space<vmem>>) target(%dma_start3A_55 : memref<64xf32, #tpu.memory_space<vmem_shared>>) target_semaphore(%run_scoped3A : memref<!tpu.dma_semaphore, #tpu.memory_space<semaphore_mem>>)
        %dma_wait3A = arith.constant 0 : i32
        %dma_wait3A_56 = tpu.memref_slice %arg14[%arg1, %dma_wait3A] : memref<16x64xf32, #tpu.memory_space<vmem_shared>> -> memref<1x64xf32, #tpu.memory_space<vmem_shared>>
        %dma_wait3A_57 = tpu.memref_squeeze %dma_wait3A_56 : memref<1x64xf32, #tpu.memory_space<vmem_shared>> -> memref<64xf32, #tpu.memory_space<vmem_shared>>
        %dma_wait3A_58 = arith.constant 0 : i32
        %dma_wait3A_59 = tpu.memref_slice %arg14[%arg1, %dma_wait3A_58] : memref<16x64xf32, #tpu.memory_space<vmem_shared>> -> memref<1x64xf32, #tpu.memory_space<vmem_shared>>
        %dma_wait3A_60 = tpu.memref_squeeze %dma_wait3A_59 : memref<1x64xf32, #tpu.memory_space<vmem_shared>> -> memref<64xf32, #tpu.memory_space<vmem_shared>>
        tpu.wait_dma2 semaphore(%run_scoped3A : memref<!tpu.dma_semaphore, #tpu.memory_space<semaphore_mem>>) src(%arg9 : memref<64xf32, #tpu.memory_space<vmem>>) dst(%dma_wait3A_60 : memref<64xf32, #tpu.memory_space<vmem_shared>>)
        tpu.yield
      }) : () -> ()
      "tpu.region"() ({
        %run_scoped3A = tpu.sem_alloc : memref<!tpu.dma_semaphore, #tpu.memory_space<semaphore_mem>>
        %dma_start3A = arith.constant 0 : i32
        %dma_start3A_51 = tpu.memref_slice %arg15[%arg1, %dma_start3A] : memref<16x64xi32, #tpu.memory_space<vmem_shared>> -> memref<1x64xi32, #tpu.memory_space<vmem_shared>>
        %dma_start3A_52 = tpu.memref_squeeze %dma_start3A_51 : memref<1x64xi32, #tpu.memory_space<vmem_shared>> -> memref<64xi32, #tpu.memory_space<vmem_shared>>
        %dma_start3A_53 = arith.constant 0 : i32
        %dma_start3A_54 = tpu.memref_slice %arg15[%arg1, %dma_start3A_53] : memref<16x64xi32, #tpu.memory_space<vmem_shared>> -> memref<1x64xi32, #tpu.memory_space<vmem_shared>>
        %dma_start3A_55 = tpu.memref_squeeze %dma_start3A_54 : memref<1x64xi32, #tpu.memory_space<vmem_shared>> -> memref<64xi32, #tpu.memory_space<vmem_shared>>
        tpu.enqueue_dma source(%arg10 : memref<64xi32, #tpu.memory_space<vmem>>) target(%dma_start3A_55 : memref<64xi32, #tpu.memory_space<vmem_shared>>) target_semaphore(%run_scoped3A : memref<!tpu.dma_semaphore, #tpu.memory_space<semaphore_mem>>)
        %dma_wait3A = arith.constant 0 : i32
        %dma_wait3A_56 = tpu.memref_slice %arg15[%arg1, %dma_wait3A] : memref<16x64xi32, #tpu.memory_space<vmem_shared>> -> memref<1x64xi32, #tpu.memory_space<vmem_shared>>
        %dma_wait3A_57 = tpu.memref_squeeze %dma_wait3A_56 : memref<1x64xi32, #tpu.memory_space<vmem_shared>> -> memref<64xi32, #tpu.memory_space<vmem_shared>>
        %dma_wait3A_58 = arith.constant 0 : i32
        %dma_wait3A_59 = tpu.memref_slice %arg15[%arg1, %dma_wait3A_58] : memref<16x64xi32, #tpu.memory_space<vmem_shared>> -> memref<1x64xi32, #tpu.memory_space<vmem_shared>>
        %dma_wait3A_60 = tpu.memref_squeeze %dma_wait3A_59 : memref<1x64xi32, #tpu.memory_space<vmem_shared>> -> memref<64xi32, #tpu.memory_space<vmem_shared>>
        tpu.wait_dma2 semaphore(%run_scoped3A : memref<!tpu.dma_semaphore, #tpu.memory_space<semaphore_mem>>) src(%arg10 : memref<64xi32, #tpu.memory_space<vmem>>) dst(%dma_wait3A_60 : memref<64xi32, #tpu.memory_space<vmem_shared>>)
        tpu.yield
      }) : () -> ()
    } else {
    }
    %barrier3A = arith.constant 0 : index
    tpu.barrier barrier_id(%barrier3A)
    %eq3A_2 = arith.constant 0 : i32
    %eq3A_3 = arith.cmpi eq, %arg0, %eq3A_2 : i32
    %eq3A_4 = arith.constant 0 : i32
    %eq3A_5 = arith.cmpi eq, %arg1, %eq3A_4 : i32
    %and3A = arith.andi %eq3A_3, %eq3A_5 : i1
    %convert_element_type3A_6 = arith.extui %and3A : i1 to i32
    %cond3A_7 = arith.constant 0 : i32
    %cond3A_8 = arith.cmpi ne, %convert_element_type3A_6, %cond3A_7 : i32
    scf.if %cond3A_8 {
      "tpu.region"() ({
        %run_scoped3A = tpu.sem_alloc : memref<!tpu.dma_semaphore, #tpu.memory_space<semaphore_mem>>
        tpu.enqueue_dma source(%arg14 : memref<16x64xf32, #tpu.memory_space<vmem_shared>>) target(%arg11 : memref<16x64xf32, #tpu.memory_space<vmem>>) target_semaphore(%run_scoped3A : memref<!tpu.dma_semaphore, #tpu.memory_space<semaphore_mem>>)
        tpu.wait_dma2 semaphore(%run_scoped3A : memref<!tpu.dma_semaphore, #tpu.memory_space<semaphore_mem>>) src(%arg14 : memref<16x64xf32, #tpu.memory_space<vmem_shared>>) dst(%arg11 : memref<16x64xf32, #tpu.memory_space<vmem>>)
        tpu.yield
      }) : () -> ()
      "tpu.region"() ({
        %run_scoped3A = tpu.sem_alloc : memref<!tpu.dma_semaphore, #tpu.memory_space<semaphore_mem>>
        tpu.enqueue_dma source(%arg15 : memref<16x64xi32, #tpu.memory_space<vmem_shared>>) target(%arg12 : memref<16x64xi32, #tpu.memory_space<vmem>>) target_semaphore(%run_scoped3A : memref<!tpu.dma_semaphore, #tpu.memory_space<semaphore_mem>>)
        tpu.wait_dma2 semaphore(%run_scoped3A : memref<!tpu.dma_semaphore, #tpu.memory_space<semaphore_mem>>) src(%arg15 : memref<16x64xi32, #tpu.memory_space<vmem_shared>>) dst(%arg12 : memref<16x64xi32, #tpu.memory_space<vmem>>)
        tpu.yield
      }) : () -> ()
      %get3A = arith.constant 0 : i32
      %get3A_9 = arith.index_cast %get3A : i32 to index
      %get3A_10 = arith.constant 0 : index
      %get3A_11 = tpu.vector_load %arg11[%get3A_9, %get3A_10] {strides = array<i32>} : memref<16x64xf32, #tpu.memory_space<vmem>>, vector<16xf32>,
      %get3A_12 = arith.constant 0 : i32
      %get3A_13 = arith.index_cast %get3A_12 : i32 to index
      %get3A_14 = arith.constant 0 : index
      %get3A_15 = tpu.vector_load %arg12[%get3A_13, %get3A_14] {strides = array<i32>} : memref<16x64xi32, #tpu.memory_space<vmem>>, vector<16xi32>,
      %get3A_16 = arith.constant 1 : i32
      %get3A_17 = arith.index_cast %get3A_16 : i32 to index
      %get3A_18 = arith.constant 0 : index
      %get3A_19 = tpu.vector_load %arg11[%get3A_17, %get3A_18] {strides = array<i32>} : memref<16x64xf32, #tpu.memory_space<vmem>>, vector<16xf32>,
      %get3A_20 = arith.constant 1 : i32
      %get3A_21 = arith.index_cast %get3A_20 : i32 to index
      %get3A_22 = arith.constant 0 : index
      %get3A_23 = tpu.vector_load %arg12[%get3A_21, %get3A_22] {strides = array<i32>} : memref<16x64xi32, #tpu.memory_space<vmem>>, vector<16xi32>,
      %gt3A = arith.cmpf ogt, %get3A_19, %get3A_11 : vector<16xf32>
      %eq3A_24 = arith.cmpf oeq, %get3A_19, %get3A_11 : vector<16xf32>
      %lt3A = arith.cmpi slt, %get3A_23, %get3A_15 : vector<16xi32>
      %and3A_25 = arith.andi %eq3A_24, %lt3A : vector<16xi1>
      %or3A = arith.ori %gt3A, %and3A_25 : vector<16xi1>
      %select_n3A = arith.select %or3A, %get3A_19, %get3A_11 : vector<16xi1>, vector<16xf32>
      %select_n3A_26 = arith.select %or3A, %get3A_23, %get3A_15 : vector<16xi1>, vector<16xi32>
      %get3A_27 = arith.constant 2 : i32
      %get3A_28 = arith.index_cast %get3A_27 : i32 to index
      %get3A_29 = arith.constant 0 : index
      %get3A_30 = tpu.vector_load %arg11[%get3A_28, %get3A_29] {strides = array<i32>} : memref<16x64xf32, #tpu.memory_space<vmem>>, vector<16xf32>,
      %get3A_31 = arith.constant 2 : i32
      %get3A_32 = arith.index_cast %get3A_31 : i32 to index
      %get3A_33 = arith.constant 0 : index
      %get3A_34 = tpu.vector_load %arg12[%get3A_32, %get3A_33] {strides = array<i32>} : memref<16x64xi32, #tpu.memory_space<vmem>>, vector<16xi32>,
      %gt3A_35 = arith.cmpf ogt, %get3A_30, %select_n3A : vector<16xf32>
      %eq3A_36 = arith.cmpf oeq, %get3A_30, %select_n3A : vector<16xf32>
      %lt3A_37 = arith.cmpi slt, %get3A_34, %select_n3A_26 : vector<16xi32>
      %and3A_38 = arith.andi %eq3A_36, %lt3A_37 : vector<16xi1>
      %or3A_39 = arith.ori %gt3A_35, %and3A_38 : vector<16xi1>
      %select_n3A_40 = arith.select %or3A_39, %get3A_30, %select_n3A : vector<16xi1>, vector<16xf32>
      %select_n3A_41 = arith.select %or3A_39, %get3A_34, %select_n3A_26 : vector<16xi1>, vector<16xi32>
      %get3A_42 = arith.constant 3 : i32
      %get3A_43 = arith.index_cast %get3A_42 : i32 to index
      %get3A_44 = arith.constant 0 : index
      %get3A_45 = tpu.vector_load %arg11[%get3A_43, %get3A_44] {strides = array<i32>} : memref<16x64xf32, #tpu.memory_space<vmem>>, vector<16xf32>,
      %get3A_46 = arith.constant 3 : i32
      %get3A_47 = arith.index_cast %get3A_46 : i32 to index
      %get3A_48 = arith.constant 0 : index
      %get3A_49 = tpu.vector_load %arg12[%get3A_47, %get3A_48] {strides = array<i32>} : memref<16x64xi32, #tpu.memory_space<vmem>>, vector<16xi32>,
      %gt3A_50 = arith.cmpf ogt, %get3A_45, %select_n3A_40 : vector<16xf32>
      %eq3A_51 = arith.cmpf oeq, %get3A_45, %select_n3A_40 : vector<16xf32>
      %lt3A_52 = arith.cmpi slt, %get3A_49, %select_n3A_41 : vector<16xi32>
      %and3A_53 = arith.andi %eq3A_51, %lt3A_52 : vector<16xi1>
      %or3A_54 = arith.ori %gt3A_50, %and3A_53 : vector<16xi1>
      %select_n3A_55 = arith.select %or3A_54, %get3A_45, %select_n3A_40 : vector<16xi1>, vector<16xf32>
      %select_n3A_56 = arith.select %or3A_54, %get3A_49, %select_n3A_41 : vector<16xi1>, vector<16xi32>
      %get3A_57 = arith.constant 4 : i32
      %get3A_58 = arith.index_cast %get3A_57 : i32 to index
      %get3A_59 = arith.constant 0 : index
      %get3A_60 = tpu.vector_load %arg11[%get3A_58, %get3A_59] {strides = array<i32>} : memref<16x64xf32, #tpu.memory_space<vmem>>, vector<16xf32>,
      %get3A_61 = arith.constant 4 : i32
      %get3A_62 = arith.index_cast %get3A_61 : i32 to index
      %get3A_63 = arith.constant 0 : index
      %get3A_64 = tpu.vector_load %arg12[%get3A_62, %get3A_63] {strides = array<i32>} : memref<16x64xi32, #tpu.memory_space<vmem>>, vector<16xi32>,
      %gt3A_65 = arith.cmpf ogt, %get3A_60, %select_n3A_55 : vector<16xf32>
      %eq3A_66 = arith.cmpf oeq, %get3A_60, %select_n3A_55 : vector<16xf32>
      %lt3A_67 = arith.cmpi slt, %get3A_64, %select_n3A_56 : vector<16xi32>
      %and3A_68 = arith.andi %eq3A_66, %lt3A_67 : vector<16xi1>
      %or3A_69 = arith.ori %gt3A_65, %and3A_68 : vector<16xi1>
      %select_n3A_70 = arith.select %or3A_69, %get3A_60, %select_n3A_55 : vector<16xi1>, vector<16xf32>
      %select_n3A_71 = arith.select %or3A_69, %get3A_64, %select_n3A_56 : vector<16xi1>, vector<16xi32>
      %get3A_72 = arith.constant 5 : i32
      %get3A_73 = arith.index_cast %get3A_72 : i32 to index
      %get3A_74 = arith.constant 0 : index
      %get3A_75 = tpu.vector_load %arg11[%get3A_73, %get3A_74] {strides = array<i32>} : memref<16x64xf32, #tpu.memory_space<vmem>>, vector<16xf32>,
      %get3A_76 = arith.constant 5 : i32
      %get3A_77 = arith.index_cast %get3A_76 : i32 to index
      %get3A_78 = arith.constant 0 : index
      %get3A_79 = tpu.vector_load %arg12[%get3A_77, %get3A_78] {strides = array<i32>} : memref<16x64xi32, #tpu.memory_space<vmem>>, vector<16xi32>,
      %gt3A_80 = arith.cmpf ogt, %get3A_75, %select_n3A_70 : vector<16xf32>
      %eq3A_81 = arith.cmpf oeq, %get3A_75, %select_n3A_70 : vector<16xf32>
      %lt3A_82 = arith.cmpi slt, %get3A_79, %select_n3A_71 : vector<16xi32>
      %and3A_83 = arith.andi %eq3A_81, %lt3A_82 : vector<16xi1>
      %or3A_84 = arith.ori %gt3A_80, %and3A_83 : vector<16xi1>
      %select_n3A_85 = arith.select %or3A_84, %get3A_75, %select_n3A_70 : vector<16xi1>, vector<16xf32>
      %select_n3A_86 = arith.select %or3A_84, %get3A_79, %select_n3A_71 : vector<16xi1>, vector<16xi32>
      %get3A_87 = arith.constant 6 : i32
      %get3A_88 = arith.index_cast %get3A_87 : i32 to index
      %get3A_89 = arith.constant 0 : index
      %get3A_90 = tpu.vector_load %arg11[%get3A_88, %get3A_89] {strides = array<i32>} : memref<16x64xf32, #tpu.memory_space<vmem>>, vector<16xf32>,
      %get3A_91 = arith.constant 6 : i32
      %get3A_92 = arith.index_cast %get3A_91 : i32 to index
      %get3A_93 = arith.constant 0 : index
      %get3A_94 = tpu.vector_load %arg12[%get3A_92, %get3A_93] {strides = array<i32>} : memref<16x64xi32, #tpu.memory_space<vmem>>, vector<16xi32>,
      %gt3A_95 = arith.cmpf ogt, %get3A_90, %select_n3A_85 : vector<16xf32>
      %eq3A_96 = arith.cmpf oeq, %get3A_90, %select_n3A_85 : vector<16xf32>
      %lt3A_97 = arith.cmpi slt, %get3A_94, %select_n3A_86 : vector<16xi32>
      %and3A_98 = arith.andi %eq3A_96, %lt3A_97 : vector<16xi1>
      %or3A_99 = arith.ori %gt3A_95, %and3A_98 : vector<16xi1>
      %select_n3A_100 = arith.select %or3A_99, %get3A_90, %select_n3A_85 : vector<16xi1>, vector<16xf32>
      %select_n3A_101 = arith.select %or3A_99, %get3A_94, %select_n3A_86 : vector<16xi1>, vector<16xi32>
      %get3A_102 = arith.constant 7 : i32
      %get3A_103 = arith.index_cast %get3A_102 : i32 to index
      %get3A_104 = arith.constant 0 : index
      %get3A_105 = tpu.vector_load %arg11[%get3A_103, %get3A_104] {strides = array<i32>} : memref<16x64xf32, #tpu.memory_space<vmem>>, vector<16xf32>,
      %get3A_106 = arith.constant 7 : i32
      %get3A_107 = arith.index_cast %get3A_106 : i32 to index
      %get3A_108 = arith.constant 0 : index
      %get3A_109 = tpu.vector_load %arg12[%get3A_107, %get3A_108] {strides = array<i32>} : memref<16x64xi32, #tpu.memory_space<vmem>>, vector<16xi32>,
      %gt3A_110 = arith.cmpf ogt, %get3A_105, %select_n3A_100 : vector<16xf32>
      %eq3A_111 = arith.cmpf oeq, %get3A_105, %select_n3A_100 : vector<16xf32>
      %lt3A_112 = arith.cmpi slt, %get3A_109, %select_n3A_101 : vector<16xi32>
      %and3A_113 = arith.andi %eq3A_111, %lt3A_112 : vector<16xi1>
      %or3A_114 = arith.ori %gt3A_110, %and3A_113 : vector<16xi1>
      %select_n3A_115 = arith.select %or3A_114, %get3A_105, %select_n3A_100 : vector<16xi1>, vector<16xf32>
      %select_n3A_116 = arith.select %or3A_114, %get3A_109, %select_n3A_101 : vector<16xi1>, vector<16xi32>
      %get3A_117 = arith.constant 8 : i32
      %get3A_118 = arith.index_cast %get3A_117 : i32 to index
      %get3A_119 = arith.constant 0 : index
      %get3A_120 = tpu.vector_load %arg11[%get3A_118, %get3A_119] {strides = array<i32>} : memref<16x64xf32, #tpu.memory_space<vmem>>, vector<16xf32>,
      %get3A_121 = arith.constant 8 : i32
      %get3A_122 = arith.index_cast %get3A_121 : i32 to index
      %get3A_123 = arith.constant 0 : index
      %get3A_124 = tpu.vector_load %arg12[%get3A_122, %get3A_123] {strides = array<i32>} : memref<16x64xi32, #tpu.memory_space<vmem>>, vector<16xi32>,
      %gt3A_125 = arith.cmpf ogt, %get3A_120, %select_n3A_115 : vector<16xf32>
      %eq3A_126 = arith.cmpf oeq, %get3A_120, %select_n3A_115 : vector<16xf32>
      %lt3A_127 = arith.cmpi slt, %get3A_124, %select_n3A_116 : vector<16xi32>
      %and3A_128 = arith.andi %eq3A_126, %lt3A_127 : vector<16xi1>
      %or3A_129 = arith.ori %gt3A_125, %and3A_128 : vector<16xi1>
      %select_n3A_130 = arith.select %or3A_129, %get3A_120, %select_n3A_115 : vector<16xi1>, vector<16xf32>
      %select_n3A_131 = arith.select %or3A_129, %get3A_124, %select_n3A_116 : vector<16xi1>, vector<16xi32>
      %get3A_132 = arith.constant 9 : i32
      %get3A_133 = arith.index_cast %get3A_132 : i32 to index
      %get3A_134 = arith.constant 0 : index
      %get3A_135 = tpu.vector_load %arg11[%get3A_133, %get3A_134] {strides = array<i32>} : memref<16x64xf32, #tpu.memory_space<vmem>>, vector<16xf32>,
      %get3A_136 = arith.constant 9 : i32
      %get3A_137 = arith.index_cast %get3A_136 : i32 to index
      %get3A_138 = arith.constant 0 : index
      %get3A_139 = tpu.vector_load %arg12[%get3A_137, %get3A_138] {strides = array<i32>} : memref<16x64xi32, #tpu.memory_space<vmem>>, vector<16xi32>,
      %gt3A_140 = arith.cmpf ogt, %get3A_135, %select_n3A_130 : vector<16xf32>
      %eq3A_141 = arith.cmpf oeq, %get3A_135, %select_n3A_130 : vector<16xf32>
      %lt3A_142 = arith.cmpi slt, %get3A_139, %select_n3A_131 : vector<16xi32>
      %and3A_143 = arith.andi %eq3A_141, %lt3A_142 : vector<16xi1>
      %or3A_144 = arith.ori %gt3A_140, %and3A_143 : vector<16xi1>
      %select_n3A_145 = arith.select %or3A_144, %get3A_135, %select_n3A_130 : vector<16xi1>, vector<16xf32>
      %select_n3A_146 = arith.select %or3A_144, %get3A_139, %select_n3A_131 : vector<16xi1>, vector<16xi32>
      %get3A_147 = arith.constant 10 : i32
      %get3A_148 = arith.index_cast %get3A_147 : i32 to index
      %get3A_149 = arith.constant 0 : index
      %get3A_150 = tpu.vector_load %arg11[%get3A_148, %get3A_149] {strides = array<i32>} : memref<16x64xf32, #tpu.memory_space<vmem>>, vector<16xf32>,
      %get3A_151 = arith.constant 10 : i32
      %get3A_152 = arith.index_cast %get3A_151 : i32 to index
      %get3A_153 = arith.constant 0 : index
      %get3A_154 = tpu.vector_load %arg12[%get3A_152, %get3A_153] {strides = array<i32>} : memref<16x64xi32, #tpu.memory_space<vmem>>, vector<16xi32>,
      %gt3A_155 = arith.cmpf ogt, %get3A_150, %select_n3A_145 : vector<16xf32>
      %eq3A_156 = arith.cmpf oeq, %get3A_150, %select_n3A_145 : vector<16xf32>
      %lt3A_157 = arith.cmpi slt, %get3A_154, %select_n3A_146 : vector<16xi32>
      %and3A_158 = arith.andi %eq3A_156, %lt3A_157 : vector<16xi1>
      %or3A_159 = arith.ori %gt3A_155, %and3A_158 : vector<16xi1>
      %select_n3A_160 = arith.select %or3A_159, %get3A_150, %select_n3A_145 : vector<16xi1>, vector<16xf32>
      %select_n3A_161 = arith.select %or3A_159, %get3A_154, %select_n3A_146 : vector<16xi1>, vector<16xi32>
      %get3A_162 = arith.constant 11 : i32
      %get3A_163 = arith.index_cast %get3A_162 : i32 to index
      %get3A_164 = arith.constant 0 : index
      %get3A_165 = tpu.vector_load %arg11[%get3A_163, %get3A_164] {strides = array<i32>} : memref<16x64xf32, #tpu.memory_space<vmem>>, vector<16xf32>,
      %get3A_166 = arith.constant 11 : i32
      %get3A_167 = arith.index_cast %get3A_166 : i32 to index
      %get3A_168 = arith.constant 0 : index
      %get3A_169 = tpu.vector_load %arg12[%get3A_167, %get3A_168] {strides = array<i32>} : memref<16x64xi32, #tpu.memory_space<vmem>>, vector<16xi32>,
      %gt3A_170 = arith.cmpf ogt, %get3A_165, %select_n3A_160 : vector<16xf32>
      %eq3A_171 = arith.cmpf oeq, %get3A_165, %select_n3A_160 : vector<16xf32>
      %lt3A_172 = arith.cmpi slt, %get3A_169, %select_n3A_161 : vector<16xi32>
      %and3A_173 = arith.andi %eq3A_171, %lt3A_172 : vector<16xi1>
      %or3A_174 = arith.ori %gt3A_170, %and3A_173 : vector<16xi1>
      %select_n3A_175 = arith.select %or3A_174, %get3A_165, %select_n3A_160 : vector<16xi1>, vector<16xf32>
      %select_n3A_176 = arith.select %or3A_174, %get3A_169, %select_n3A_161 : vector<16xi1>, vector<16xi32>
      %get3A_177 = arith.constant 12 : i32
      %get3A_178 = arith.index_cast %get3A_177 : i32 to index
      %get3A_179 = arith.constant 0 : index
      %get3A_180 = tpu.vector_load %arg11[%get3A_178, %get3A_179] {strides = array<i32>} : memref<16x64xf32, #tpu.memory_space<vmem>>, vector<16xf32>,
      %get3A_181 = arith.constant 12 : i32
      %get3A_182 = arith.index_cast %get3A_181 : i32 to index
      %get3A_183 = arith.constant 0 : index
      %get3A_184 = tpu.vector_load %arg12[%get3A_182, %get3A_183] {strides = array<i32>} : memref<16x64xi32, #tpu.memory_space<vmem>>, vector<16xi32>,
      %gt3A_185 = arith.cmpf ogt, %get3A_180, %select_n3A_175 : vector<16xf32>
      %eq3A_186 = arith.cmpf oeq, %get3A_180, %select_n3A_175 : vector<16xf32>
      %lt3A_187 = arith.cmpi slt, %get3A_184, %select_n3A_176 : vector<16xi32>
      %and3A_188 = arith.andi %eq3A_186, %lt3A_187 : vector<16xi1>
      %or3A_189 = arith.ori %gt3A_185, %and3A_188 : vector<16xi1>
      %select_n3A_190 = arith.select %or3A_189, %get3A_180, %select_n3A_175 : vector<16xi1>, vector<16xf32>
      %select_n3A_191 = arith.select %or3A_189, %get3A_184, %select_n3A_176 : vector<16xi1>, vector<16xi32>
      %get3A_192 = arith.constant 13 : i32
      %get3A_193 = arith.index_cast %get3A_192 : i32 to index
      %get3A_194 = arith.constant 0 : index
      %get3A_195 = tpu.vector_load %arg11[%get3A_193, %get3A_194] {strides = array<i32>} : memref<16x64xf32, #tpu.memory_space<vmem>>, vector<16xf32>,
      %get3A_196 = arith.constant 13 : i32
      %get3A_197 = arith.index_cast %get3A_196 : i32 to index
      %get3A_198 = arith.constant 0 : index
      %get3A_199 = tpu.vector_load %arg12[%get3A_197, %get3A_198] {strides = array<i32>} : memref<16x64xi32, #tpu.memory_space<vmem>>, vector<16xi32>,
      %gt3A_200 = arith.cmpf ogt, %get3A_195, %select_n3A_190 : vector<16xf32>
      %eq3A_201 = arith.cmpf oeq, %get3A_195, %select_n3A_190 : vector<16xf32>
      %lt3A_202 = arith.cmpi slt, %get3A_199, %select_n3A_191 : vector<16xi32>
      %and3A_203 = arith.andi %eq3A_201, %lt3A_202 : vector<16xi1>
      %or3A_204 = arith.ori %gt3A_200, %and3A_203 : vector<16xi1>
      %select_n3A_205 = arith.select %or3A_204, %get3A_195, %select_n3A_190 : vector<16xi1>, vector<16xf32>
      %select_n3A_206 = arith.select %or3A_204, %get3A_199, %select_n3A_191 : vector<16xi1>, vector<16xi32>
      %get3A_207 = arith.constant 14 : i32
      %get3A_208 = arith.index_cast %get3A_207 : i32 to index
      %get3A_209 = arith.constant 0 : index
      %get3A_210 = tpu.vector_load %arg11[%get3A_208, %get3A_209] {strides = array<i32>} : memref<16x64xf32, #tpu.memory_space<vmem>>, vector<16xf32>,
      %get3A_211 = arith.constant 14 : i32
      %get3A_212 = arith.index_cast %get3A_211 : i32 to index
      %get3A_213 = arith.constant 0 : index
      %get3A_214 = tpu.vector_load %arg12[%get3A_212, %get3A_213] {strides = array<i32>} : memref<16x64xi32, #tpu.memory_space<vmem>>, vector<16xi32>,
      %gt3A_215 = arith.cmpf ogt, %get3A_210, %select_n3A_205 : vector<16xf32>
      %eq3A_216 = arith.cmpf oeq, %get3A_210, %select_n3A_205 : vector<16xf32>
      %lt3A_217 = arith.cmpi slt, %get3A_214, %select_n3A_206 : vector<16xi32>
      %and3A_218 = arith.andi %eq3A_216, %lt3A_217 : vector<16xi1>
      %or3A_219 = arith.ori %gt3A_215, %and3A_218 : vector<16xi1>
      %select_n3A_220 = arith.select %or3A_219, %get3A_210, %select_n3A_205 : vector<16xi1>, vector<16xf32>
      %select_n3A_221 = arith.select %or3A_219, %get3A_214, %select_n3A_206 : vector<16xi1>, vector<16xi32>
      %get3A_222 = arith.constant 15 : i32
      %get3A_223 = arith.index_cast %get3A_222 : i32 to index
      %get3A_224 = arith.constant 0 : index
      %get3A_225 = tpu.vector_load %arg11[%get3A_223, %get3A_224] {strides = array<i32>} : memref<16x64xf32, #tpu.memory_space<vmem>>, vector<16xf32>,
      %get3A_226 = arith.constant 15 : i32
      %get3A_227 = arith.index_cast %get3A_226 : i32 to index
      %get3A_228 = arith.constant 0 : index
      %get3A_229 = tpu.vector_load %arg12[%get3A_227, %get3A_228] {strides = array<i32>} : memref<16x64xi32, #tpu.memory_space<vmem>>, vector<16xi32>,
      %gt3A_230 = arith.cmpf ogt, %get3A_225, %select_n3A_220 : vector<16xf32>
      %eq3A_231 = arith.cmpf oeq, %get3A_225, %select_n3A_220 : vector<16xf32>
      %lt3A_232 = arith.cmpi slt, %get3A_229, %select_n3A_221 : vector<16xi32>
      %and3A_233 = arith.andi %eq3A_231, %lt3A_232 : vector<16xi1>
      %or3A_234 = arith.ori %gt3A_230, %and3A_233 : vector<16xi1>
      %select_n3A_235 = arith.select %or3A_234, %get3A_225, %select_n3A_220 : vector<16xi1>, vector<16xf32>
      %select_n3A_236 = arith.select %or3A_234, %get3A_229, %select_n3A_221 : vector<16xi1>, vector<16xi32>
      %gt3A_237 = arith.constant -5.000000e-01 : f32
      %gt3A_238 = vector.broadcast %gt3A_237 : f32 to vector<16xf32>
      %gt3A_239 = arith.cmpf ogt, %select_n3A_235, %gt3A_238 : vector<16xf32>
      %jit3A = arith.constant 0 : i32
      %broadcast_in_dim3A = vector.broadcast %jit3A : i32 to vector<16xi32>
      %select_n3A_240 = arith.select %gt3A_239, %select_n3A_236, %broadcast_in_dim3A : vector<16xi1>, vector<16xi32>
      %swap3A = arith.constant 0 : index
      %swap3A_241 = tpu.vector_load %arg9[%swap3A] {strides = array<i32>} : memref<64xf32, #tpu.memory_space<vmem>>, vector<16xf32>,
      tpu.vector_store %arg9[%swap3A], %select_n3A_235 {strides = array<i32>} : memref<64xf32, #tpu.memory_space<vmem>>, vector<16xf32>,
      %swap3A_242 = arith.constant 0 : index
      %swap3A_243 = tpu.vector_load %arg10[%swap3A_242] {strides = array<i32>} : memref<64xi32, #tpu.memory_space<vmem>>, vector<16xi32>,
      tpu.vector_store %arg10[%swap3A_242], %select_n3A_240 {strides = array<i32>} : memref<64xi32, #tpu.memory_space<vmem>>, vector<16xi32>,
      %get3A_244 = arith.constant 0 : i32
      %get3A_245 = arith.index_cast %get3A_244 : i32 to index
      %get3A_246 = arith.constant 16 : index
      %get3A_247 = tpu.vector_load %arg11[%get3A_245, %get3A_246] {strides = array<i32>} : memref<16x64xf32, #tpu.memory_space<vmem>>, vector<16xf32>,
      %get3A_248 = arith.constant 0 : i32
      %get3A_249 = arith.index_cast %get3A_248 : i32 to index
      %get3A_250 = arith.constant 16 : index
      %get3A_251 = tpu.vector_load %arg12[%get3A_249, %get3A_250] {strides = array<i32>} : memref<16x64xi32, #tpu.memory_space<vmem>>, vector<16xi32>,
      %get3A_252 = arith.constant 1 : i32
      %get3A_253 = arith.index_cast %get3A_252 : i32 to index
      %get3A_254 = arith.constant 16 : index
      %get3A_255 = tpu.vector_load %arg11[%get3A_253, %get3A_254] {strides = array<i32>} : memref<16x64xf32, #tpu.memory_space<vmem>>, vector<16xf32>,
      %get3A_256 = arith.constant 1 : i32
      %get3A_257 = arith.index_cast %get3A_256 : i32 to index
      %get3A_258 = arith.constant 16 : index
      %get3A_259 = tpu.vector_load %arg12[%get3A_257, %get3A_258] {strides = array<i32>} : memref<16x64xi32, #tpu.memory_space<vmem>>, vector<16xi32>,
      %gt3A_260 = arith.cmpf ogt, %get3A_255, %get3A_247 : vector<16xf32>
      %eq3A_261 = arith.cmpf oeq, %get3A_255, %get3A_247 : vector<16xf32>
      %lt3A_262 = arith.cmpi slt, %get3A_259, %get3A_251 : vector<16xi32>
      %and3A_263 = arith.andi %eq3A_261, %lt3A_262 : vector<16xi1>
      %or3A_264 = arith.ori %gt3A_260, %and3A_263 : vector<16xi1>
      %select_n3A_265 = arith.select %or3A_264, %get3A_255, %get3A_247 : vector<16xi1>, vector<16xf32>
      %select_n3A_266 = arith.select %or3A_264, %get3A_259, %get3A_251 : vector<16xi1>, vector<16xi32>
      %get3A_267 = arith.constant 2 : i32
      %get3A_268 = arith.index_cast %get3A_267 : i32 to index
      %get3A_269 = arith.constant 16 : index
      %get3A_270 = tpu.vector_load %arg11[%get3A_268, %get3A_269] {strides = array<i32>} : memref<16x64xf32, #tpu.memory_space<vmem>>, vector<16xf32>,
      %get3A_271 = arith.constant 2 : i32
      %get3A_272 = arith.index_cast %get3A_271 : i32 to index
      %get3A_273 = arith.constant 16 : index
      %get3A_274 = tpu.vector_load %arg12[%get3A_272, %get3A_273] {strides = array<i32>} : memref<16x64xi32, #tpu.memory_space<vmem>>, vector<16xi32>,
      %gt3A_275 = arith.cmpf ogt, %get3A_270, %select_n3A_265 : vector<16xf32>
      %eq3A_276 = arith.cmpf oeq, %get3A_270, %select_n3A_265 : vector<16xf32>
      %lt3A_277 = arith.cmpi slt, %get3A_274, %select_n3A_266 : vector<16xi32>
      %and3A_278 = arith.andi %eq3A_276, %lt3A_277 : vector<16xi1>
      %or3A_279 = arith.ori %gt3A_275, %and3A_278 : vector<16xi1>
      %select_n3A_280 = arith.select %or3A_279, %get3A_270, %select_n3A_265 : vector<16xi1>, vector<16xf32>
      %select_n3A_281 = arith.select %or3A_279, %get3A_274, %select_n3A_266 : vector<16xi1>, vector<16xi32>
      %get3A_282 = arith.constant 3 : i32
      %get3A_283 = arith.index_cast %get3A_282 : i32 to index
      %get3A_284 = arith.constant 16 : index
      %get3A_285 = tpu.vector_load %arg11[%get3A_283, %get3A_284] {strides = array<i32>} : memref<16x64xf32, #tpu.memory_space<vmem>>, vector<16xf32>,
      %get3A_286 = arith.constant 3 : i32
      %get3A_287 = arith.index_cast %get3A_286 : i32 to index
      %get3A_288 = arith.constant 16 : index
      %get3A_289 = tpu.vector_load %arg12[%get3A_287, %get3A_288] {strides = array<i32>} : memref<16x64xi32, #tpu.memory_space<vmem>>, vector<16xi32>,
      %gt3A_290 = arith.cmpf ogt, %get3A_285, %select_n3A_280 : vector<16xf32>
      %eq3A_291 = arith.cmpf oeq, %get3A_285, %select_n3A_280 : vector<16xf32>
      %lt3A_292 = arith.cmpi slt, %get3A_289, %select_n3A_281 : vector<16xi32>
      %and3A_293 = arith.andi %eq3A_291, %lt3A_292 : vector<16xi1>
      %or3A_294 = arith.ori %gt3A_290, %and3A_293 : vector<16xi1>
      %select_n3A_295 = arith.select %or3A_294, %get3A_285, %select_n3A_280 : vector<16xi1>, vector<16xf32>
      %select_n3A_296 = arith.select %or3A_294, %get3A_289, %select_n3A_281 : vector<16xi1>, vector<16xi32>
      %get3A_297 = arith.constant 4 : i32
      %get3A_298 = arith.index_cast %get3A_297 : i32 to index
      %get3A_299 = arith.constant 16 : index
      %get3A_300 = tpu.vector_load %arg11[%get3A_298, %get3A_299] {strides = array<i32>} : memref<16x64xf32, #tpu.memory_space<vmem>>, vector<16xf32>,
      %get3A_301 = arith.constant 4 : i32
      %get3A_302 = arith.index_cast %get3A_301 : i32 to index
      %get3A_303 = arith.constant 16 : index
      %get3A_304 = tpu.vector_load %arg12[%get3A_302, %get3A_303] {strides = array<i32>} : memref<16x64xi32, #tpu.memory_space<vmem>>, vector<16xi32>,
      %gt3A_305 = arith.cmpf ogt, %get3A_300, %select_n3A_295 : vector<16xf32>
      %eq3A_306 = arith.cmpf oeq, %get3A_300, %select_n3A_295 : vector<16xf32>
      %lt3A_307 = arith.cmpi slt, %get3A_304, %select_n3A_296 : vector<16xi32>
      %and3A_308 = arith.andi %eq3A_306, %lt3A_307 : vector<16xi1>
      %or3A_309 = arith.ori %gt3A_305, %and3A_308 : vector<16xi1>
      %select_n3A_310 = arith.select %or3A_309, %get3A_300, %select_n3A_295 : vector<16xi1>, vector<16xf32>
      %select_n3A_311 = arith.select %or3A_309, %get3A_304, %select_n3A_296 : vector<16xi1>, vector<16xi32>
      %get3A_312 = arith.constant 5 : i32
      %get3A_313 = arith.index_cast %get3A_312 : i32 to index
      %get3A_314 = arith.constant 16 : index
      %get3A_315 = tpu.vector_load %arg11[%get3A_313, %get3A_314] {strides = array<i32>} : memref<16x64xf32, #tpu.memory_space<vmem>>, vector<16xf32>,
      %get3A_316 = arith.constant 5 : i32
      %get3A_317 = arith.index_cast %get3A_316 : i32 to index
      %get3A_318 = arith.constant 16 : index
      %get3A_319 = tpu.vector_load %arg12[%get3A_317, %get3A_318] {strides = array<i32>} : memref<16x64xi32, #tpu.memory_space<vmem>>, vector<16xi32>,
      %gt3A_320 = arith.cmpf ogt, %get3A_315, %select_n3A_310 : vector<16xf32>
      %eq3A_321 = arith.cmpf oeq, %get3A_315, %select_n3A_310 : vector<16xf32>
      %lt3A_322 = arith.cmpi slt, %get3A_319, %select_n3A_311 : vector<16xi32>
      %and3A_323 = arith.andi %eq3A_321, %lt3A_322 : vector<16xi1>
      %or3A_324 = arith.ori %gt3A_320, %and3A_323 : vector<16xi1>
      %select_n3A_325 = arith.select %or3A_324, %get3A_315, %select_n3A_310 : vector<16xi1>, vector<16xf32>
      %select_n3A_326 = arith.select %or3A_324, %get3A_319, %select_n3A_311 : vector<16xi1>, vector<16xi32>
      %get3A_327 = arith.constant 6 : i32
      %get3A_328 = arith.index_cast %get3A_327 : i32 to index
      %get3A_329 = arith.constant 16 : index
      %get3A_330 = tpu.vector_load %arg11[%get3A_328, %get3A_329] {strides = array<i32>} : memref<16x64xf32, #tpu.memory_space<vmem>>, vector<16xf32>,
      %get3A_331 = arith.constant 6 : i32
      %get3A_332 = arith.index_cast %get3A_331 : i32 to index
      %get3A_333 = arith.constant 16 : index
      %get3A_334 = tpu.vector_load %arg12[%get3A_332, %get3A_333] {strides = array<i32>} : memref<16x64xi32, #tpu.memory_space<vmem>>, vector<16xi32>,
      %gt3A_335 = arith.cmpf ogt, %get3A_330, %select_n3A_325 : vector<16xf32>
      %eq3A_336 = arith.cmpf oeq, %get3A_330, %select_n3A_325 : vector<16xf32>
      %lt3A_337 = arith.cmpi slt, %get3A_334, %select_n3A_326 : vector<16xi32>
      %and3A_338 = arith.andi %eq3A_336, %lt3A_337 : vector<16xi1>
      %or3A_339 = arith.ori %gt3A_335, %and3A_338 : vector<16xi1>
      %select_n3A_340 = arith.select %or3A_339, %get3A_330, %select_n3A_325 : vector<16xi1>, vector<16xf32>
      %select_n3A_341 = arith.select %or3A_339, %get3A_334, %select_n3A_326 : vector<16xi1>, vector<16xi32>
      %get3A_342 = arith.constant 7 : i32
      %get3A_343 = arith.index_cast %get3A_342 : i32 to index
      %get3A_344 = arith.constant 16 : index
      %get3A_345 = tpu.vector_load %arg11[%get3A_343, %get3A_344] {strides = array<i32>} : memref<16x64xf32, #tpu.memory_space<vmem>>, vector<16xf32>,
      %get3A_346 = arith.constant 7 : i32
      %get3A_347 = arith.index_cast %get3A_346 : i32 to index
      %get3A_348 = arith.constant 16 : index
      %get3A_349 = tpu.vector_load %arg12[%get3A_347, %get3A_348] {strides = array<i32>} : memref<16x64xi32, #tpu.memory_space<vmem>>, vector<16xi32>,
      %gt3A_350 = arith.cmpf ogt, %get3A_345, %select_n3A_340 : vector<16xf32>
      %eq3A_351 = arith.cmpf oeq, %get3A_345, %select_n3A_340 : vector<16xf32>
      %lt3A_352 = arith.cmpi slt, %get3A_349, %select_n3A_341 : vector<16xi32>
      %and3A_353 = arith.andi %eq3A_351, %lt3A_352 : vector<16xi1>
      %or3A_354 = arith.ori %gt3A_350, %and3A_353 : vector<16xi1>
      %select_n3A_355 = arith.select %or3A_354, %get3A_345, %select_n3A_340 : vector<16xi1>, vector<16xf32>
      %select_n3A_356 = arith.select %or3A_354, %get3A_349, %select_n3A_341 : vector<16xi1>, vector<16xi32>
      %get3A_357 = arith.constant 8 : i32
      %get3A_358 = arith.index_cast %get3A_357 : i32 to index
      %get3A_359 = arith.constant 16 : index
      %get3A_360 = tpu.vector_load %arg11[%get3A_358, %get3A_359] {strides = array<i32>} : memref<16x64xf32, #tpu.memory_space<vmem>>, vector<16xf32>,
      %get3A_361 = arith.constant 8 : i32
      %get3A_362 = arith.index_cast %get3A_361 : i32 to index
      %get3A_363 = arith.constant 16 : index
      %get3A_364 = tpu.vector_load %arg12[%get3A_362, %get3A_363] {strides = array<i32>} : memref<16x64xi32, #tpu.memory_space<vmem>>, vector<16xi32>,
      %gt3A_365 = arith.cmpf ogt, %get3A_360, %select_n3A_355 : vector<16xf32>
      %eq3A_366 = arith.cmpf oeq, %get3A_360, %select_n3A_355 : vector<16xf32>
      %lt3A_367 = arith.cmpi slt, %get3A_364, %select_n3A_356 : vector<16xi32>
      %and3A_368 = arith.andi %eq3A_366, %lt3A_367 : vector<16xi1>
      %or3A_369 = arith.ori %gt3A_365, %and3A_368 : vector<16xi1>
      %select_n3A_370 = arith.select %or3A_369, %get3A_360, %select_n3A_355 : vector<16xi1>, vector<16xf32>
      %select_n3A_371 = arith.select %or3A_369, %get3A_364, %select_n3A_356 : vector<16xi1>, vector<16xi32>
      %get3A_372 = arith.constant 9 : i32
      %get3A_373 = arith.index_cast %get3A_372 : i32 to index
      %get3A_374 = arith.constant 16 : index
      %get3A_375 = tpu.vector_load %arg11[%get3A_373, %get3A_374] {strides = array<i32>} : memref<16x64xf32, #tpu.memory_space<vmem>>, vector<16xf32>,
      %get3A_376 = arith.constant 9 : i32
      %get3A_377 = arith.index_cast %get3A_376 : i32 to index
      %get3A_378 = arith.constant 16 : index
      %get3A_379 = tpu.vector_load %arg12[%get3A_377, %get3A_378] {strides = array<i32>} : memref<16x64xi32, #tpu.memory_space<vmem>>, vector<16xi32>,
      %gt3A_380 = arith.cmpf ogt, %get3A_375, %select_n3A_370 : vector<16xf32>
      %eq3A_381 = arith.cmpf oeq, %get3A_375, %select_n3A_370 : vector<16xf32>
      %lt3A_382 = arith.cmpi slt, %get3A_379, %select_n3A_371 : vector<16xi32>
      %and3A_383 = arith.andi %eq3A_381, %lt3A_382 : vector<16xi1>
      %or3A_384 = arith.ori %gt3A_380, %and3A_383 : vector<16xi1>
      %select_n3A_385 = arith.select %or3A_384, %get3A_375, %select_n3A_370 : vector<16xi1>, vector<16xf32>
      %select_n3A_386 = arith.select %or3A_384, %get3A_379, %select_n3A_371 : vector<16xi1>, vector<16xi32>
      %get3A_387 = arith.constant 10 : i32
      %get3A_388 = arith.index_cast %get3A_387 : i32 to index
      %get3A_389 = arith.constant 16 : index
      %get3A_390 = tpu.vector_load %arg11[%get3A_388, %get3A_389] {strides = array<i32>} : memref<16x64xf32, #tpu.memory_space<vmem>>, vector<16xf32>,
      %get3A_391 = arith.constant 10 : i32
      %get3A_392 = arith.index_cast %get3A_391 : i32 to index
      %get3A_393 = arith.constant 16 : index
      %get3A_394 = tpu.vector_load %arg12[%get3A_392, %get3A_393] {strides = array<i32>} : memref<16x64xi32, #tpu.memory_space<vmem>>, vector<16xi32>,
      %gt3A_395 = arith.cmpf ogt, %get3A_390, %select_n3A_385 : vector<16xf32>
      %eq3A_396 = arith.cmpf oeq, %get3A_390, %select_n3A_385 : vector<16xf32>
      %lt3A_397 = arith.cmpi slt, %get3A_394, %select_n3A_386 : vector<16xi32>
      %and3A_398 = arith.andi %eq3A_396, %lt3A_397 : vector<16xi1>
      %or3A_399 = arith.ori %gt3A_395, %and3A_398 : vector<16xi1>
      %select_n3A_400 = arith.select %or3A_399, %get3A_390, %select_n3A_385 : vector<16xi1>, vector<16xf32>
      %select_n3A_401 = arith.select %or3A_399, %get3A_394, %select_n3A_386 : vector<16xi1>, vector<16xi32>
      %get3A_402 = arith.constant 11 : i32
      %get3A_403 = arith.index_cast %get3A_402 : i32 to index
      %get3A_404 = arith.constant 16 : index
      %get3A_405 = tpu.vector_load %arg11[%get3A_403, %get3A_404] {strides = array<i32>} : memref<16x64xf32, #tpu.memory_space<vmem>>, vector<16xf32>,
      %get3A_406 = arith.constant 11 : i32
      %get3A_407 = arith.index_cast %get3A_406 : i32 to index
      %get3A_408 = arith.constant 16 : index
      %get3A_409 = tpu.vector_load %arg12[%get3A_407, %get3A_408] {strides = array<i32>} : memref<16x64xi32, #tpu.memory_space<vmem>>, vector<16xi32>,
      %gt3A_410 = arith.cmpf ogt, %get3A_405, %select_n3A_400 : vector<16xf32>
      %eq3A_411 = arith.cmpf oeq, %get3A_405, %select_n3A_400 : vector<16xf32>
      %lt3A_412 = arith.cmpi slt, %get3A_409, %select_n3A_401 : vector<16xi32>
      %and3A_413 = arith.andi %eq3A_411, %lt3A_412 : vector<16xi1>
      %or3A_414 = arith.ori %gt3A_410, %and3A_413 : vector<16xi1>
      %select_n3A_415 = arith.select %or3A_414, %get3A_405, %select_n3A_400 : vector<16xi1>, vector<16xf32>
      %select_n3A_416 = arith.select %or3A_414, %get3A_409, %select_n3A_401 : vector<16xi1>, vector<16xi32>
      %get3A_417 = arith.constant 12 : i32
      %get3A_418 = arith.index_cast %get3A_417 : i32 to index
      %get3A_419 = arith.constant 16 : index
      %get3A_420 = tpu.vector_load %arg11[%get3A_418, %get3A_419] {strides = array<i32>} : memref<16x64xf32, #tpu.memory_space<vmem>>, vector<16xf32>,
      %get3A_421 = arith.constant 12 : i32
      %get3A_422 = arith.index_cast %get3A_421 : i32 to index
      %get3A_423 = arith.constant 16 : index
      %get3A_424 = tpu.vector_load %arg12[%get3A_422, %get3A_423] {strides = array<i32>} : memref<16x64xi32, #tpu.memory_space<vmem>>, vector<16xi32>,
      %gt3A_425 = arith.cmpf ogt, %get3A_420, %select_n3A_415 : vector<16xf32>
      %eq3A_426 = arith.cmpf oeq, %get3A_420, %select_n3A_415 : vector<16xf32>
      %lt3A_427 = arith.cmpi slt, %get3A_424, %select_n3A_416 : vector<16xi32>
      %and3A_428 = arith.andi %eq3A_426, %lt3A_427 : vector<16xi1>
      %or3A_429 = arith.ori %gt3A_425, %and3A_428 : vector<16xi1>
      %select_n3A_430 = arith.select %or3A_429, %get3A_420, %select_n3A_415 : vector<16xi1>, vector<16xf32>
      %select_n3A_431 = arith.select %or3A_429, %get3A_424, %select_n3A_416 : vector<16xi1>, vector<16xi32>
      %get3A_432 = arith.constant 13 : i32
      %get3A_433 = arith.index_cast %get3A_432 : i32 to index
      %get3A_434 = arith.constant 16 : index
      %get3A_435 = tpu.vector_load %arg11[%get3A_433, %get3A_434] {strides = array<i32>} : memref<16x64xf32, #tpu.memory_space<vmem>>, vector<16xf32>,
      %get3A_436 = arith.constant 13 : i32
      %get3A_437 = arith.index_cast %get3A_436 : i32 to index
      %get3A_438 = arith.constant 16 : index
      %get3A_439 = tpu.vector_load %arg12[%get3A_437, %get3A_438] {strides = array<i32>} : memref<16x64xi32, #tpu.memory_space<vmem>>, vector<16xi32>,
      %gt3A_440 = arith.cmpf ogt, %get3A_435, %select_n3A_430 : vector<16xf32>
      %eq3A_441 = arith.cmpf oeq, %get3A_435, %select_n3A_430 : vector<16xf32>
      %lt3A_442 = arith.cmpi slt, %get3A_439, %select_n3A_431 : vector<16xi32>
      %and3A_443 = arith.andi %eq3A_441, %lt3A_442 : vector<16xi1>
      %or3A_444 = arith.ori %gt3A_440, %and3A_443 : vector<16xi1>
      %select_n3A_445 = arith.select %or3A_444, %get3A_435, %select_n3A_430 : vector<16xi1>, vector<16xf32>
      %select_n3A_446 = arith.select %or3A_444, %get3A_439, %select_n3A_431 : vector<16xi1>, vector<16xi32>
      %get3A_447 = arith.constant 14 : i32
      %get3A_448 = arith.index_cast %get3A_447 : i32 to index
      %get3A_449 = arith.constant 16 : index
      %get3A_450 = tpu.vector_load %arg11[%get3A_448, %get3A_449] {strides = array<i32>} : memref<16x64xf32, #tpu.memory_space<vmem>>, vector<16xf32>,
      %get3A_451 = arith.constant 14 : i32
      %get3A_452 = arith.index_cast %get3A_451 : i32 to index
      %get3A_453 = arith.constant 16 : index
      %get3A_454 = tpu.vector_load %arg12[%get3A_452, %get3A_453] {strides = array<i32>} : memref<16x64xi32, #tpu.memory_space<vmem>>, vector<16xi32>,
      %gt3A_455 = arith.cmpf ogt, %get3A_450, %select_n3A_445 : vector<16xf32>
      %eq3A_456 = arith.cmpf oeq, %get3A_450, %select_n3A_445 : vector<16xf32>
      %lt3A_457 = arith.cmpi slt, %get3A_454, %select_n3A_446 : vector<16xi32>
      %and3A_458 = arith.andi %eq3A_456, %lt3A_457 : vector<16xi1>
      %or3A_459 = arith.ori %gt3A_455, %and3A_458 : vector<16xi1>
      %select_n3A_460 = arith.select %or3A_459, %get3A_450, %select_n3A_445 : vector<16xi1>, vector<16xf32>
      %select_n3A_461 = arith.select %or3A_459, %get3A_454, %select_n3A_446 : vector<16xi1>, vector<16xi32>
      %get3A_462 = arith.constant 15 : i32
      %get3A_463 = arith.index_cast %get3A_462 : i32 to index
      %get3A_464 = arith.constant 16 : index
      %get3A_465 = tpu.vector_load %arg11[%get3A_463, %get3A_464] {strides = array<i32>} : memref<16x64xf32, #tpu.memory_space<vmem>>, vector<16xf32>,
      %get3A_466 = arith.constant 15 : i32
      %get3A_467 = arith.index_cast %get3A_466 : i32 to index
      %get3A_468 = arith.constant 16 : index
      %get3A_469 = tpu.vector_load %arg12[%get3A_467, %get3A_468] {strides = array<i32>} : memref<16x64xi32, #tpu.memory_space<vmem>>, vector<16xi32>,
      %gt3A_470 = arith.cmpf ogt, %get3A_465, %select_n3A_460 : vector<16xf32>
      %eq3A_471 = arith.cmpf oeq, %get3A_465, %select_n3A_460 : vector<16xf32>
      %lt3A_472 = arith.cmpi slt, %get3A_469, %select_n3A_461 : vector<16xi32>
      %and3A_473 = arith.andi %eq3A_471, %lt3A_472 : vector<16xi1>
      %or3A_474 = arith.ori %gt3A_470, %and3A_473 : vector<16xi1>
      %select_n3A_475 = arith.select %or3A_474, %get3A_465, %select_n3A_460 : vector<16xi1>, vector<16xf32>
      %select_n3A_476 = arith.select %or3A_474, %get3A_469, %select_n3A_461 : vector<16xi1>, vector<16xi32>
      %gt3A_477 = arith.constant -5.000000e-01 : f32
      %gt3A_478 = vector.broadcast %gt3A_477 : f32 to vector<16xf32>
      %gt3A_479 = arith.cmpf ogt, %select_n3A_475, %gt3A_478 : vector<16xf32>
      %jit3A_480 = arith.constant 0 : i32
      %broadcast_in_dim3A_481 = vector.broadcast %jit3A_480 : i32 to vector<16xi32>
      %select_n3A_482 = arith.select %gt3A_479, %select_n3A_476, %broadcast_in_dim3A_481 : vector<16xi1>, vector<16xi32>
      %swap3A_483 = arith.constant 16 : index
      %swap3A_484 = tpu.vector_load %arg9[%swap3A_483] {strides = array<i32>} : memref<64xf32, #tpu.memory_space<vmem>>, vector<16xf32>,
      tpu.vector_store %arg9[%swap3A_483], %select_n3A_475 {strides = array<i32>} : memref<64xf32, #tpu.memory_space<vmem>>, vector<16xf32>,
      %swap3A_485 = arith.constant 16 : index
      %swap3A_486 = tpu.vector_load %arg10[%swap3A_485] {strides = array<i32>} : memref<64xi32, #tpu.memory_space<vmem>>, vector<16xi32>,
      tpu.vector_store %arg10[%swap3A_485], %select_n3A_482 {strides = array<i32>} : memref<64xi32, #tpu.memory_space<vmem>>, vector<16xi32>,
      %get3A_487 = arith.constant 0 : i32
      %get3A_488 = arith.index_cast %get3A_487 : i32 to index
      %get3A_489 = arith.constant 32 : index
      %get3A_490 = tpu.vector_load %arg11[%get3A_488, %get3A_489] {strides = array<i32>} : memref<16x64xf32, #tpu.memory_space<vmem>>, vector<16xf32>,
      %get3A_491 = arith.constant 0 : i32
      %get3A_492 = arith.index_cast %get3A_491 : i32 to index
      %get3A_493 = arith.constant 32 : index
      %get3A_494 = tpu.vector_load %arg12[%get3A_492, %get3A_493] {strides = array<i32>} : memref<16x64xi32, #tpu.memory_space<vmem>>, vector<16xi32>,
      %get3A_495 = arith.constant 1 : i32
      %get3A_496 = arith.index_cast %get3A_495 : i32 to index
      %get3A_497 = arith.constant 32 : index
      %get3A_498 = tpu.vector_load %arg11[%get3A_496, %get3A_497] {strides = array<i32>} : memref<16x64xf32, #tpu.memory_space<vmem>>, vector<16xf32>,
      %get3A_499 = arith.constant 1 : i32
      %get3A_500 = arith.index_cast %get3A_499 : i32 to index
      %get3A_501 = arith.constant 32 : index
      %get3A_502 = tpu.vector_load %arg12[%get3A_500, %get3A_501] {strides = array<i32>} : memref<16x64xi32, #tpu.memory_space<vmem>>, vector<16xi32>,
      %gt3A_503 = arith.cmpf ogt, %get3A_498, %get3A_490 : vector<16xf32>
      %eq3A_504 = arith.cmpf oeq, %get3A_498, %get3A_490 : vector<16xf32>
      %lt3A_505 = arith.cmpi slt, %get3A_502, %get3A_494 : vector<16xi32>
      %and3A_506 = arith.andi %eq3A_504, %lt3A_505 : vector<16xi1>
      %or3A_507 = arith.ori %gt3A_503, %and3A_506 : vector<16xi1>
      %select_n3A_508 = arith.select %or3A_507, %get3A_498, %get3A_490 : vector<16xi1>, vector<16xf32>
      %select_n3A_509 = arith.select %or3A_507, %get3A_502, %get3A_494 : vector<16xi1>, vector<16xi32>
      %get3A_510 = arith.constant 2 : i32
      %get3A_511 = arith.index_cast %get3A_510 : i32 to index
      %get3A_512 = arith.constant 32 : index
      %get3A_513 = tpu.vector_load %arg11[%get3A_511, %get3A_512] {strides = array<i32>} : memref<16x64xf32, #tpu.memory_space<vmem>>, vector<16xf32>,
      %get3A_514 = arith.constant 2 : i32
      %get3A_515 = arith.index_cast %get3A_514 : i32 to index
      %get3A_516 = arith.constant 32 : index
      %get3A_517 = tpu.vector_load %arg12[%get3A_515, %get3A_516] {strides = array<i32>} : memref<16x64xi32, #tpu.memory_space<vmem>>, vector<16xi32>,
      %gt3A_518 = arith.cmpf ogt, %get3A_513, %select_n3A_508 : vector<16xf32>
      %eq3A_519 = arith.cmpf oeq, %get3A_513, %select_n3A_508 : vector<16xf32>
      %lt3A_520 = arith.cmpi slt, %get3A_517, %select_n3A_509 : vector<16xi32>
      %and3A_521 = arith.andi %eq3A_519, %lt3A_520 : vector<16xi1>
      %or3A_522 = arith.ori %gt3A_518, %and3A_521 : vector<16xi1>
      %select_n3A_523 = arith.select %or3A_522, %get3A_513, %select_n3A_508 : vector<16xi1>, vector<16xf32>
      %select_n3A_524 = arith.select %or3A_522, %get3A_517, %select_n3A_509 : vector<16xi1>, vector<16xi32>
      %get3A_525 = arith.constant 3 : i32
      %get3A_526 = arith.index_cast %get3A_525 : i32 to index
      %get3A_527 = arith.constant 32 : index
      %get3A_528 = tpu.vector_load %arg11[%get3A_526, %get3A_527] {strides = array<i32>} : memref<16x64xf32, #tpu.memory_space<vmem>>, vector<16xf32>,
      %get3A_529 = arith.constant 3 : i32
      %get3A_530 = arith.index_cast %get3A_529 : i32 to index
      %get3A_531 = arith.constant 32 : index
      %get3A_532 = tpu.vector_load %arg12[%get3A_530, %get3A_531] {strides = array<i32>} : memref<16x64xi32, #tpu.memory_space<vmem>>, vector<16xi32>,
      %gt3A_533 = arith.cmpf ogt, %get3A_528, %select_n3A_523 : vector<16xf32>
      %eq3A_534 = arith.cmpf oeq, %get3A_528, %select_n3A_523 : vector<16xf32>
      %lt3A_535 = arith.cmpi slt, %get3A_532, %select_n3A_524 : vector<16xi32>
      %and3A_536 = arith.andi %eq3A_534, %lt3A_535 : vector<16xi1>
      %or3A_537 = arith.ori %gt3A_533, %and3A_536 : vector<16xi1>
      %select_n3A_538 = arith.select %or3A_537, %get3A_528, %select_n3A_523 : vector<16xi1>, vector<16xf32>
      %select_n3A_539 = arith.select %or3A_537, %get3A_532, %select_n3A_524 : vector<16xi1>, vector<16xi32>
      %get3A_540 = arith.constant 4 : i32
      %get3A_541 = arith.index_cast %get3A_540 : i32 to index
      %get3A_542 = arith.constant 32 : index
      %get3A_543 = tpu.vector_load %arg11[%get3A_541, %get3A_542] {strides = array<i32>} : memref<16x64xf32, #tpu.memory_space<vmem>>, vector<16xf32>,
      %get3A_544 = arith.constant 4 : i32
      %get3A_545 = arith.index_cast %get3A_544 : i32 to index
      %get3A_546 = arith.constant 32 : index
      %get3A_547 = tpu.vector_load %arg12[%get3A_545, %get3A_546] {strides = array<i32>} : memref<16x64xi32, #tpu.memory_space<vmem>>, vector<16xi32>,
      %gt3A_548 = arith.cmpf ogt, %get3A_543, %select_n3A_538 : vector<16xf32>
      %eq3A_549 = arith.cmpf oeq, %get3A_543, %select_n3A_538 : vector<16xf32>
      %lt3A_550 = arith.cmpi slt, %get3A_547, %select_n3A_539 : vector<16xi32>
      %and3A_551 = arith.andi %eq3A_549, %lt3A_550 : vector<16xi1>
      %or3A_552 = arith.ori %gt3A_548, %and3A_551 : vector<16xi1>
      %select_n3A_553 = arith.select %or3A_552, %get3A_543, %select_n3A_538 : vector<16xi1>, vector<16xf32>
      %select_n3A_554 = arith.select %or3A_552, %get3A_547, %select_n3A_539 : vector<16xi1>, vector<16xi32>
      %get3A_555 = arith.constant 5 : i32
      %get3A_556 = arith.index_cast %get3A_555 : i32 to index
      %get3A_557 = arith.constant 32 : index
      %get3A_558 = tpu.vector_load %arg11[%get3A_556, %get3A_557] {strides = array<i32>} : memref<16x64xf32, #tpu.memory_space<vmem>>, vector<16xf32>,
      %get3A_559 = arith.constant 5 : i32
      %get3A_560 = arith.index_cast %get3A_559 : i32 to index
      %get3A_561 = arith.constant 32 : index
      %get3A_562 = tpu.vector_load %arg12[%get3A_560, %get3A_561] {strides = array<i32>} : memref<16x64xi32, #tpu.memory_space<vmem>>, vector<16xi32>,
      %gt3A_563 = arith.cmpf ogt, %get3A_558, %select_n3A_553 : vector<16xf32>
      %eq3A_564 = arith.cmpf oeq, %get3A_558, %select_n3A_553 : vector<16xf32>
      %lt3A_565 = arith.cmpi slt, %get3A_562, %select_n3A_554 : vector<16xi32>
      %and3A_566 = arith.andi %eq3A_564, %lt3A_565 : vector<16xi1>
      %or3A_567 = arith.ori %gt3A_563, %and3A_566 : vector<16xi1>
      %select_n3A_568 = arith.select %or3A_567, %get3A_558, %select_n3A_553 : vector<16xi1>, vector<16xf32>
      %select_n3A_569 = arith.select %or3A_567, %get3A_562, %select_n3A_554 : vector<16xi1>, vector<16xi32>
      %get3A_570 = arith.constant 6 : i32
      %get3A_571 = arith.index_cast %get3A_570 : i32 to index
      %get3A_572 = arith.constant 32 : index
      %get3A_573 = tpu.vector_load %arg11[%get3A_571, %get3A_572] {strides = array<i32>} : memref<16x64xf32, #tpu.memory_space<vmem>>, vector<16xf32>,
      %get3A_574 = arith.constant 6 : i32
      %get3A_575 = arith.index_cast %get3A_574 : i32 to index
      %get3A_576 = arith.constant 32 : index
      %get3A_577 = tpu.vector_load %arg12[%get3A_575, %get3A_576] {strides = array<i32>} : memref<16x64xi32, #tpu.memory_space<vmem>>, vector<16xi32>,
      %gt3A_578 = arith.cmpf ogt, %get3A_573, %select_n3A_568 : vector<16xf32>
      %eq3A_579 = arith.cmpf oeq, %get3A_573, %select_n3A_568 : vector<16xf32>
      %lt3A_580 = arith.cmpi slt, %get3A_577, %select_n3A_569 : vector<16xi32>
      %and3A_581 = arith.andi %eq3A_579, %lt3A_580 : vector<16xi1>
      %or3A_582 = arith.ori %gt3A_578, %and3A_581 : vector<16xi1>
      %select_n3A_583 = arith.select %or3A_582, %get3A_573, %select_n3A_568 : vector<16xi1>, vector<16xf32>
      %select_n3A_584 = arith.select %or3A_582, %get3A_577, %select_n3A_569 : vector<16xi1>, vector<16xi32>
      %get3A_585 = arith.constant 7 : i32
      %get3A_586 = arith.index_cast %get3A_585 : i32 to index
      %get3A_587 = arith.constant 32 : index
      %get3A_588 = tpu.vector_load %arg11[%get3A_586, %get3A_587] {strides = array<i32>} : memref<16x64xf32, #tpu.memory_space<vmem>>, vector<16xf32>,
      %get3A_589 = arith.constant 7 : i32
      %get3A_590 = arith.index_cast %get3A_589 : i32 to index
      %get3A_591 = arith.constant 32 : index
      %get3A_592 = tpu.vector_load %arg12[%get3A_590, %get3A_591] {strides = array<i32>} : memref<16x64xi32, #tpu.memory_space<vmem>>, vector<16xi32>,
      %gt3A_593 = arith.cmpf ogt, %get3A_588, %select_n3A_583 : vector<16xf32>
      %eq3A_594 = arith.cmpf oeq, %get3A_588, %select_n3A_583 : vector<16xf32>
      %lt3A_595 = arith.cmpi slt, %get3A_592, %select_n3A_584 : vector<16xi32>
      %and3A_596 = arith.andi %eq3A_594, %lt3A_595 : vector<16xi1>
      %or3A_597 = arith.ori %gt3A_593, %and3A_596 : vector<16xi1>
      %select_n3A_598 = arith.select %or3A_597, %get3A_588, %select_n3A_583 : vector<16xi1>, vector<16xf32>
      %select_n3A_599 = arith.select %or3A_597, %get3A_592, %select_n3A_584 : vector<16xi1>, vector<16xi32>
      %get3A_600 = arith.constant 8 : i32
      %get3A_601 = arith.index_cast %get3A_600 : i32 to index
      %get3A_602 = arith.constant 32 : index
      %get3A_603 = tpu.vector_load %arg11[%get3A_601, %get3A_602] {strides = array<i32>} : memref<16x64xf32, #tpu.memory_space<vmem>>, vector<16xf32>,
      %get3A_604 = arith.constant 8 : i32
      %get3A_605 = arith.index_cast %get3A_604 : i32 to index
      %get3A_606 = arith.constant 32 : index
      %get3A_607 = tpu.vector_load %arg12[%get3A_605, %get3A_606] {strides = array<i32>} : memref<16x64xi32, #tpu.memory_space<vmem>>, vector<16xi32>,
      %gt3A_608 = arith.cmpf ogt, %get3A_603, %select_n3A_598 : vector<16xf32>
      %eq3A_609 = arith.cmpf oeq, %get3A_603, %select_n3A_598 : vector<16xf32>
      %lt3A_610 = arith.cmpi slt, %get3A_607, %select_n3A_599 : vector<16xi32>
      %and3A_611 = arith.andi %eq3A_609, %lt3A_610 : vector<16xi1>
      %or3A_612 = arith.ori %gt3A_608, %and3A_611 : vector<16xi1>
      %select_n3A_613 = arith.select %or3A_612, %get3A_603, %select_n3A_598 : vector<16xi1>, vector<16xf32>
      %select_n3A_614 = arith.select %or3A_612, %get3A_607, %select_n3A_599 : vector<16xi1>, vector<16xi32>
      %get3A_615 = arith.constant 9 : i32
      %get3A_616 = arith.index_cast %get3A_615 : i32 to index
      %get3A_617 = arith.constant 32 : index
      %get3A_618 = tpu.vector_load %arg11[%get3A_616, %get3A_617] {strides = array<i32>} : memref<16x64xf32, #tpu.memory_space<vmem>>, vector<16xf32>,
      %get3A_619 = arith.constant 9 : i32
      %get3A_620 = arith.index_cast %get3A_619 : i32 to index
      %get3A_621 = arith.constant 32 : index
      %get3A_622 = tpu.vector_load %arg12[%get3A_620, %get3A_621] {strides = array<i32>} : memref<16x64xi32, #tpu.memory_space<vmem>>, vector<16xi32>,
      %gt3A_623 = arith.cmpf ogt, %get3A_618, %select_n3A_613 : vector<16xf32>
      %eq3A_624 = arith.cmpf oeq, %get3A_618, %select_n3A_613 : vector<16xf32>
      %lt3A_625 = arith.cmpi slt, %get3A_622, %select_n3A_614 : vector<16xi32>
      %and3A_626 = arith.andi %eq3A_624, %lt3A_625 : vector<16xi1>
      %or3A_627 = arith.ori %gt3A_623, %and3A_626 : vector<16xi1>
      %select_n3A_628 = arith.select %or3A_627, %get3A_618, %select_n3A_613 : vector<16xi1>, vector<16xf32>
      %select_n3A_629 = arith.select %or3A_627, %get3A_622, %select_n3A_614 : vector<16xi1>, vector<16xi32>
      %get3A_630 = arith.constant 10 : i32
      %get3A_631 = arith.index_cast %get3A_630 : i32 to index
      %get3A_632 = arith.constant 32 : index
      %get3A_633 = tpu.vector_load %arg11[%get3A_631, %get3A_632] {strides = array<i32>} : memref<16x64xf32, #tpu.memory_space<vmem>>, vector<16xf32>,
      %get3A_634 = arith.constant 10 : i32
      %get3A_635 = arith.index_cast %get3A_634 : i32 to index
      %get3A_636 = arith.constant 32 : index
      %get3A_637 = tpu.vector_load %arg12[%get3A_635, %get3A_636] {strides = array<i32>} : memref<16x64xi32, #tpu.memory_space<vmem>>, vector<16xi32>,
      %gt3A_638 = arith.cmpf ogt, %get3A_633, %select_n3A_628 : vector<16xf32>
      %eq3A_639 = arith.cmpf oeq, %get3A_633, %select_n3A_628 : vector<16xf32>
      %lt3A_640 = arith.cmpi slt, %get3A_637, %select_n3A_629 : vector<16xi32>
      %and3A_641 = arith.andi %eq3A_639, %lt3A_640 : vector<16xi1>
      %or3A_642 = arith.ori %gt3A_638, %and3A_641 : vector<16xi1>
      %select_n3A_643 = arith.select %or3A_642, %get3A_633, %select_n3A_628 : vector<16xi1>, vector<16xf32>
      %select_n3A_644 = arith.select %or3A_642, %get3A_637, %select_n3A_629 : vector<16xi1>, vector<16xi32>
      %get3A_645 = arith.constant 11 : i32
      %get3A_646 = arith.index_cast %get3A_645 : i32 to index
      %get3A_647 = arith.constant 32 : index
      %get3A_648 = tpu.vector_load %arg11[%get3A_646, %get3A_647] {strides = array<i32>} : memref<16x64xf32, #tpu.memory_space<vmem>>, vector<16xf32>,
      %get3A_649 = arith.constant 11 : i32
      %get3A_650 = arith.index_cast %get3A_649 : i32 to index
      %get3A_651 = arith.constant 32 : index
      %get3A_652 = tpu.vector_load %arg12[%get3A_650, %get3A_651] {strides = array<i32>} : memref<16x64xi32, #tpu.memory_space<vmem>>, vector<16xi32>,
      %gt3A_653 = arith.cmpf ogt, %get3A_648, %select_n3A_643 : vector<16xf32>
      %eq3A_654 = arith.cmpf oeq, %get3A_648, %select_n3A_643 : vector<16xf32>
      %lt3A_655 = arith.cmpi slt, %get3A_652, %select_n3A_644 : vector<16xi32>
      %and3A_656 = arith.andi %eq3A_654, %lt3A_655 : vector<16xi1>
      %or3A_657 = arith.ori %gt3A_653, %and3A_656 : vector<16xi1>
      %select_n3A_658 = arith.select %or3A_657, %get3A_648, %select_n3A_643 : vector<16xi1>, vector<16xf32>
      %select_n3A_659 = arith.select %or3A_657, %get3A_652, %select_n3A_644 : vector<16xi1>, vector<16xi32>
      %get3A_660 = arith.constant 12 : i32
      %get3A_661 = arith.index_cast %get3A_660 : i32 to index
      %get3A_662 = arith.constant 32 : index
      %get3A_663 = tpu.vector_load %arg11[%get3A_661, %get3A_662] {strides = array<i32>} : memref<16x64xf32, #tpu.memory_space<vmem>>, vector<16xf32>,
      %get3A_664 = arith.constant 12 : i32
      %get3A_665 = arith.index_cast %get3A_664 : i32 to index
      %get3A_666 = arith.constant 32 : index
      %get3A_667 = tpu.vector_load %arg12[%get3A_665, %get3A_666] {strides = array<i32>} : memref<16x64xi32, #tpu.memory_space<vmem>>, vector<16xi32>,
      %gt3A_668 = arith.cmpf ogt, %get3A_663, %select_n3A_658 : vector<16xf32>
      %eq3A_669 = arith.cmpf oeq, %get3A_663, %select_n3A_658 : vector<16xf32>
      %lt3A_670 = arith.cmpi slt, %get3A_667, %select_n3A_659 : vector<16xi32>
      %and3A_671 = arith.andi %eq3A_669, %lt3A_670 : vector<16xi1>
      %or3A_672 = arith.ori %gt3A_668, %and3A_671 : vector<16xi1>
      %select_n3A_673 = arith.select %or3A_672, %get3A_663, %select_n3A_658 : vector<16xi1>, vector<16xf32>
      %select_n3A_674 = arith.select %or3A_672, %get3A_667, %select_n3A_659 : vector<16xi1>, vector<16xi32>
      %get3A_675 = arith.constant 13 : i32
      %get3A_676 = arith.index_cast %get3A_675 : i32 to index
      %get3A_677 = arith.constant 32 : index
      %get3A_678 = tpu.vector_load %arg11[%get3A_676, %get3A_677] {strides = array<i32>} : memref<16x64xf32, #tpu.memory_space<vmem>>, vector<16xf32>,
      %get3A_679 = arith.constant 13 : i32
      %get3A_680 = arith.index_cast %get3A_679 : i32 to index
      %get3A_681 = arith.constant 32 : index
      %get3A_682 = tpu.vector_load %arg12[%get3A_680, %get3A_681] {strides = array<i32>} : memref<16x64xi32, #tpu.memory_space<vmem>>, vector<16xi32>,
      %gt3A_683 = arith.cmpf ogt, %get3A_678, %select_n3A_673 : vector<16xf32>
      %eq3A_684 = arith.cmpf oeq, %get3A_678, %select_n3A_673 : vector<16xf32>
      %lt3A_685 = arith.cmpi slt, %get3A_682, %select_n3A_674 : vector<16xi32>
      %and3A_686 = arith.andi %eq3A_684, %lt3A_685 : vector<16xi1>
      %or3A_687 = arith.ori %gt3A_683, %and3A_686 : vector<16xi1>
      %select_n3A_688 = arith.select %or3A_687, %get3A_678, %select_n3A_673 : vector<16xi1>, vector<16xf32>
      %select_n3A_689 = arith.select %or3A_687, %get3A_682, %select_n3A_674 : vector<16xi1>, vector<16xi32>
      %get3A_690 = arith.constant 14 : i32
      %get3A_691 = arith.index_cast %get3A_690 : i32 to index
      %get3A_692 = arith.constant 32 : index
      %get3A_693 = tpu.vector_load %arg11[%get3A_691, %get3A_692] {strides = array<i32>} : memref<16x64xf32, #tpu.memory_space<vmem>>, vector<16xf32>,
      %get3A_694 = arith.constant 14 : i32
      %get3A_695 = arith.index_cast %get3A_694 : i32 to index
      %get3A_696 = arith.constant 32 : index
      %get3A_697 = tpu.vector_load %arg12[%get3A_695, %get3A_696] {strides = array<i32>} : memref<16x64xi32, #tpu.memory_space<vmem>>, vector<16xi32>,
      %gt3A_698 = arith.cmpf ogt, %get3A_693, %select_n3A_688 : vector<16xf32>
      %eq3A_699 = arith.cmpf oeq, %get3A_693, %select_n3A_688 : vector<16xf32>
      %lt3A_700 = arith.cmpi slt, %get3A_697, %select_n3A_689 : vector<16xi32>
      %and3A_701 = arith.andi %eq3A_699, %lt3A_700 : vector<16xi1>
      %or3A_702 = arith.ori %gt3A_698, %and3A_701 : vector<16xi1>
      %select_n3A_703 = arith.select %or3A_702, %get3A_693, %select_n3A_688 : vector<16xi1>, vector<16xf32>
      %select_n3A_704 = arith.select %or3A_702, %get3A_697, %select_n3A_689 : vector<16xi1>, vector<16xi32>
      %get3A_705 = arith.constant 15 : i32
      %get3A_706 = arith.index_cast %get3A_705 : i32 to index
      %get3A_707 = arith.constant 32 : index
      %get3A_708 = tpu.vector_load %arg11[%get3A_706, %get3A_707] {strides = array<i32>} : memref<16x64xf32, #tpu.memory_space<vmem>>, vector<16xf32>,
      %get3A_709 = arith.constant 15 : i32
      %get3A_710 = arith.index_cast %get3A_709 : i32 to index
      %get3A_711 = arith.constant 32 : index
      %get3A_712 = tpu.vector_load %arg12[%get3A_710, %get3A_711] {strides = array<i32>} : memref<16x64xi32, #tpu.memory_space<vmem>>, vector<16xi32>,
      %gt3A_713 = arith.cmpf ogt, %get3A_708, %select_n3A_703 : vector<16xf32>
      %eq3A_714 = arith.cmpf oeq, %get3A_708, %select_n3A_703 : vector<16xf32>
      %lt3A_715 = arith.cmpi slt, %get3A_712, %select_n3A_704 : vector<16xi32>
      %and3A_716 = arith.andi %eq3A_714, %lt3A_715 : vector<16xi1>
      %or3A_717 = arith.ori %gt3A_713, %and3A_716 : vector<16xi1>
      %select_n3A_718 = arith.select %or3A_717, %get3A_708, %select_n3A_703 : vector<16xi1>, vector<16xf32>
      %select_n3A_719 = arith.select %or3A_717, %get3A_712, %select_n3A_704 : vector<16xi1>, vector<16xi32>
      %gt3A_720 = arith.constant -5.000000e-01 : f32
      %gt3A_721 = vector.broadcast %gt3A_720 : f32 to vector<16xf32>
      %gt3A_722 = arith.cmpf ogt, %select_n3A_718, %gt3A_721 : vector<16xf32>
      %jit3A_723 = arith.constant 0 : i32
      %broadcast_in_dim3A_724 = vector.broadcast %jit3A_723 : i32 to vector<16xi32>
      %select_n3A_725 = arith.select %gt3A_722, %select_n3A_719, %broadcast_in_dim3A_724 : vector<16xi1>, vector<16xi32>
      %swap3A_726 = arith.constant 32 : index
      %swap3A_727 = tpu.vector_load %arg9[%swap3A_726] {strides = array<i32>} : memref<64xf32, #tpu.memory_space<vmem>>, vector<16xf32>,
      tpu.vector_store %arg9[%swap3A_726], %select_n3A_718 {strides = array<i32>} : memref<64xf32, #tpu.memory_space<vmem>>, vector<16xf32>,
      %swap3A_728 = arith.constant 32 : index
      %swap3A_729 = tpu.vector_load %arg10[%swap3A_728] {strides = array<i32>} : memref<64xi32, #tpu.memory_space<vmem>>, vector<16xi32>,
      tpu.vector_store %arg10[%swap3A_728], %select_n3A_725 {strides = array<i32>} : memref<64xi32, #tpu.memory_space<vmem>>, vector<16xi32>,
      %get3A_730 = arith.constant 0 : i32
      %get3A_731 = arith.index_cast %get3A_730 : i32 to index
      %get3A_732 = arith.constant 48 : index
      %get3A_733 = tpu.vector_load %arg11[%get3A_731, %get3A_732] {strides = array<i32>} : memref<16x64xf32, #tpu.memory_space<vmem>>, vector<16xf32>,
      %get3A_734 = arith.constant 0 : i32
      %get3A_735 = arith.index_cast %get3A_734 : i32 to index
      %get3A_736 = arith.constant 48 : index
      %get3A_737 = tpu.vector_load %arg12[%get3A_735, %get3A_736] {strides = array<i32>} : memref<16x64xi32, #tpu.memory_space<vmem>>, vector<16xi32>,
      %get3A_738 = arith.constant 1 : i32
      %get3A_739 = arith.index_cast %get3A_738 : i32 to index
      %get3A_740 = arith.constant 48 : index
      %get3A_741 = tpu.vector_load %arg11[%get3A_739, %get3A_740] {strides = array<i32>} : memref<16x64xf32, #tpu.memory_space<vmem>>, vector<16xf32>,
      %get3A_742 = arith.constant 1 : i32
      %get3A_743 = arith.index_cast %get3A_742 : i32 to index
      %get3A_744 = arith.constant 48 : index
      %get3A_745 = tpu.vector_load %arg12[%get3A_743, %get3A_744] {strides = array<i32>} : memref<16x64xi32, #tpu.memory_space<vmem>>, vector<16xi32>,
      %gt3A_746 = arith.cmpf ogt, %get3A_741, %get3A_733 : vector<16xf32>
      %eq3A_747 = arith.cmpf oeq, %get3A_741, %get3A_733 : vector<16xf32>
      %lt3A_748 = arith.cmpi slt, %get3A_745, %get3A_737 : vector<16xi32>
      %and3A_749 = arith.andi %eq3A_747, %lt3A_748 : vector<16xi1>
      %or3A_750 = arith.ori %gt3A_746, %and3A_749 : vector<16xi1>
      %select_n3A_751 = arith.select %or3A_750, %get3A_741, %get3A_733 : vector<16xi1>, vector<16xf32>
      %select_n3A_752 = arith.select %or3A_750, %get3A_745, %get3A_737 : vector<16xi1>, vector<16xi32>
      %get3A_753 = arith.constant 2 : i32
      %get3A_754 = arith.index_cast %get3A_753 : i32 to index
      %get3A_755 = arith.constant 48 : index
      %get3A_756 = tpu.vector_load %arg11[%get3A_754, %get3A_755] {strides = array<i32>} : memref<16x64xf32, #tpu.memory_space<vmem>>, vector<16xf32>,
      %get3A_757 = arith.constant 2 : i32
      %get3A_758 = arith.index_cast %get3A_757 : i32 to index
      %get3A_759 = arith.constant 48 : index
      %get3A_760 = tpu.vector_load %arg12[%get3A_758, %get3A_759] {strides = array<i32>} : memref<16x64xi32, #tpu.memory_space<vmem>>, vector<16xi32>,
      %gt3A_761 = arith.cmpf ogt, %get3A_756, %select_n3A_751 : vector<16xf32>
      %eq3A_762 = arith.cmpf oeq, %get3A_756, %select_n3A_751 : vector<16xf32>
      %lt3A_763 = arith.cmpi slt, %get3A_760, %select_n3A_752 : vector<16xi32>
      %and3A_764 = arith.andi %eq3A_762, %lt3A_763 : vector<16xi1>
      %or3A_765 = arith.ori %gt3A_761, %and3A_764 : vector<16xi1>
      %select_n3A_766 = arith.select %or3A_765, %get3A_756, %select_n3A_751 : vector<16xi1>, vector<16xf32>
      %select_n3A_767 = arith.select %or3A_765, %get3A_760, %select_n3A_752 : vector<16xi1>, vector<16xi32>
      %get3A_768 = arith.constant 3 : i32
      %get3A_769 = arith.index_cast %get3A_768 : i32 to index
      %get3A_770 = arith.constant 48 : index
      %get3A_771 = tpu.vector_load %arg11[%get3A_769, %get3A_770] {strides = array<i32>} : memref<16x64xf32, #tpu.memory_space<vmem>>, vector<16xf32>,
      %get3A_772 = arith.constant 3 : i32
      %get3A_773 = arith.index_cast %get3A_772 : i32 to index
      %get3A_774 = arith.constant 48 : index
      %get3A_775 = tpu.vector_load %arg12[%get3A_773, %get3A_774] {strides = array<i32>} : memref<16x64xi32, #tpu.memory_space<vmem>>, vector<16xi32>,
      %gt3A_776 = arith.cmpf ogt, %get3A_771, %select_n3A_766 : vector<16xf32>
      %eq3A_777 = arith.cmpf oeq, %get3A_771, %select_n3A_766 : vector<16xf32>
      %lt3A_778 = arith.cmpi slt, %get3A_775, %select_n3A_767 : vector<16xi32>
      %and3A_779 = arith.andi %eq3A_777, %lt3A_778 : vector<16xi1>
      %or3A_780 = arith.ori %gt3A_776, %and3A_779 : vector<16xi1>
      %select_n3A_781 = arith.select %or3A_780, %get3A_771, %select_n3A_766 : vector<16xi1>, vector<16xf32>
      %select_n3A_782 = arith.select %or3A_780, %get3A_775, %select_n3A_767 : vector<16xi1>, vector<16xi32>
      %get3A_783 = arith.constant 4 : i32
      %get3A_784 = arith.index_cast %get3A_783 : i32 to index
      %get3A_785 = arith.constant 48 : index
      %get3A_786 = tpu.vector_load %arg11[%get3A_784, %get3A_785] {strides = array<i32>} : memref<16x64xf32, #tpu.memory_space<vmem>>, vector<16xf32>,
      %get3A_787 = arith.constant 4 : i32
      %get3A_788 = arith.index_cast %get3A_787 : i32 to index
      %get3A_789 = arith.constant 48 : index
      %get3A_790 = tpu.vector_load %arg12[%get3A_788, %get3A_789] {strides = array<i32>} : memref<16x64xi32, #tpu.memory_space<vmem>>, vector<16xi32>,
      %gt3A_791 = arith.cmpf ogt, %get3A_786, %select_n3A_781 : vector<16xf32>
      %eq3A_792 = arith.cmpf oeq, %get3A_786, %select_n3A_781 : vector<16xf32>
      %lt3A_793 = arith.cmpi slt, %get3A_790, %select_n3A_782 : vector<16xi32>
      %and3A_794 = arith.andi %eq3A_792, %lt3A_793 : vector<16xi1>
      %or3A_795 = arith.ori %gt3A_791, %and3A_794 : vector<16xi1>
      %select_n3A_796 = arith.select %or3A_795, %get3A_786, %select_n3A_781 : vector<16xi1>, vector<16xf32>
      %select_n3A_797 = arith.select %or3A_795, %get3A_790, %select_n3A_782 : vector<16xi1>, vector<16xi32>
      %get3A_798 = arith.constant 5 : i32
      %get3A_799 = arith.index_cast %get3A_798 : i32 to index
      %get3A_800 = arith.constant 48 : index
      %get3A_801 = tpu.vector_load %arg11[%get3A_799, %get3A_800] {strides = array<i32>} : memref<16x64xf32, #tpu.memory_space<vmem>>, vector<16xf32>,
      %get3A_802 = arith.constant 5 : i32
      %get3A_803 = arith.index_cast %get3A_802 : i32 to index
      %get3A_804 = arith.constant 48 : index
      %get3A_805 = tpu.vector_load %arg12[%get3A_803, %get3A_804] {strides = array<i32>} : memref<16x64xi32, #tpu.memory_space<vmem>>, vector<16xi32>,
      %gt3A_806 = arith.cmpf ogt, %get3A_801, %select_n3A_796 : vector<16xf32>
      %eq3A_807 = arith.cmpf oeq, %get3A_801, %select_n3A_796 : vector<16xf32>
      %lt3A_808 = arith.cmpi slt, %get3A_805, %select_n3A_797 : vector<16xi32>
      %and3A_809 = arith.andi %eq3A_807, %lt3A_808 : vector<16xi1>
      %or3A_810 = arith.ori %gt3A_806, %and3A_809 : vector<16xi1>
      %select_n3A_811 = arith.select %or3A_810, %get3A_801, %select_n3A_796 : vector<16xi1>, vector<16xf32>
      %select_n3A_812 = arith.select %or3A_810, %get3A_805, %select_n3A_797 : vector<16xi1>, vector<16xi32>
      %get3A_813 = arith.constant 6 : i32
      %get3A_814 = arith.index_cast %get3A_813 : i32 to index
      %get3A_815 = arith.constant 48 : index
      %get3A_816 = tpu.vector_load %arg11[%get3A_814, %get3A_815] {strides = array<i32>} : memref<16x64xf32, #tpu.memory_space<vmem>>, vector<16xf32>,
      %get3A_817 = arith.constant 6 : i32
      %get3A_818 = arith.index_cast %get3A_817 : i32 to index
      %get3A_819 = arith.constant 48 : index
      %get3A_820 = tpu.vector_load %arg12[%get3A_818, %get3A_819] {strides = array<i32>} : memref<16x64xi32, #tpu.memory_space<vmem>>, vector<16xi32>,
      %gt3A_821 = arith.cmpf ogt, %get3A_816, %select_n3A_811 : vector<16xf32>
      %eq3A_822 = arith.cmpf oeq, %get3A_816, %select_n3A_811 : vector<16xf32>
      %lt3A_823 = arith.cmpi slt, %get3A_820, %select_n3A_812 : vector<16xi32>
      %and3A_824 = arith.andi %eq3A_822, %lt3A_823 : vector<16xi1>
      %or3A_825 = arith.ori %gt3A_821, %and3A_824 : vector<16xi1>
      %select_n3A_826 = arith.select %or3A_825, %get3A_816, %select_n3A_811 : vector<16xi1>, vector<16xf32>
      %select_n3A_827 = arith.select %or3A_825, %get3A_820, %select_n3A_812 : vector<16xi1>, vector<16xi32>
      %get3A_828 = arith.constant 7 : i32
      %get3A_829 = arith.index_cast %get3A_828 : i32 to index
      %get3A_830 = arith.constant 48 : index
      %get3A_831 = tpu.vector_load %arg11[%get3A_829, %get3A_830] {strides = array<i32>} : memref<16x64xf32, #tpu.memory_space<vmem>>, vector<16xf32>,
      %get3A_832 = arith.constant 7 : i32
      %get3A_833 = arith.index_cast %get3A_832 : i32 to index
      %get3A_834 = arith.constant 48 : index
      %get3A_835 = tpu.vector_load %arg12[%get3A_833, %get3A_834] {strides = array<i32>} : memref<16x64xi32, #tpu.memory_space<vmem>>, vector<16xi32>,
      %gt3A_836 = arith.cmpf ogt, %get3A_831, %select_n3A_826 : vector<16xf32>
      %eq3A_837 = arith.cmpf oeq, %get3A_831, %select_n3A_826 : vector<16xf32>
      %lt3A_838 = arith.cmpi slt, %get3A_835, %select_n3A_827 : vector<16xi32>
      %and3A_839 = arith.andi %eq3A_837, %lt3A_838 : vector<16xi1>
      %or3A_840 = arith.ori %gt3A_836, %and3A_839 : vector<16xi1>
      %select_n3A_841 = arith.select %or3A_840, %get3A_831, %select_n3A_826 : vector<16xi1>, vector<16xf32>
      %select_n3A_842 = arith.select %or3A_840, %get3A_835, %select_n3A_827 : vector<16xi1>, vector<16xi32>
      %get3A_843 = arith.constant 8 : i32
      %get3A_844 = arith.index_cast %get3A_843 : i32 to index
      %get3A_845 = arith.constant 48 : index
      %get3A_846 = tpu.vector_load %arg11[%get3A_844, %get3A_845] {strides = array<i32>} : memref<16x64xf32, #tpu.memory_space<vmem>>, vector<16xf32>,
      %get3A_847 = arith.constant 8 : i32
      %get3A_848 = arith.index_cast %get3A_847 : i32 to index
      %get3A_849 = arith.constant 48 : index
      %get3A_850 = tpu.vector_load %arg12[%get3A_848, %get3A_849] {strides = array<i32>} : memref<16x64xi32, #tpu.memory_space<vmem>>, vector<16xi32>,
      %gt3A_851 = arith.cmpf ogt, %get3A_846, %select_n3A_841 : vector<16xf32>
      %eq3A_852 = arith.cmpf oeq, %get3A_846, %select_n3A_841 : vector<16xf32>
      %lt3A_853 = arith.cmpi slt, %get3A_850, %select_n3A_842 : vector<16xi32>
      %and3A_854 = arith.andi %eq3A_852, %lt3A_853 : vector<16xi1>
      %or3A_855 = arith.ori %gt3A_851, %and3A_854 : vector<16xi1>
      %select_n3A_856 = arith.select %or3A_855, %get3A_846, %select_n3A_841 : vector<16xi1>, vector<16xf32>
      %select_n3A_857 = arith.select %or3A_855, %get3A_850, %select_n3A_842 : vector<16xi1>, vector<16xi32>
      %get3A_858 = arith.constant 9 : i32
      %get3A_859 = arith.index_cast %get3A_858 : i32 to index
      %get3A_860 = arith.constant 48 : index
      %get3A_861 = tpu.vector_load %arg11[%get3A_859, %get3A_860] {strides = array<i32>} : memref<16x64xf32, #tpu.memory_space<vmem>>, vector<16xf32>,
      %get3A_862 = arith.constant 9 : i32
      %get3A_863 = arith.index_cast %get3A_862 : i32 to index
      %get3A_864 = arith.constant 48 : index
      %get3A_865 = tpu.vector_load %arg12[%get3A_863, %get3A_864] {strides = array<i32>} : memref<16x64xi32, #tpu.memory_space<vmem>>, vector<16xi32>,
      %gt3A_866 = arith.cmpf ogt, %get3A_861, %select_n3A_856 : vector<16xf32>
      %eq3A_867 = arith.cmpf oeq, %get3A_861, %select_n3A_856 : vector<16xf32>
      %lt3A_868 = arith.cmpi slt, %get3A_865, %select_n3A_857 : vector<16xi32>
      %and3A_869 = arith.andi %eq3A_867, %lt3A_868 : vector<16xi1>
      %or3A_870 = arith.ori %gt3A_866, %and3A_869 : vector<16xi1>
      %select_n3A_871 = arith.select %or3A_870, %get3A_861, %select_n3A_856 : vector<16xi1>, vector<16xf32>
      %select_n3A_872 = arith.select %or3A_870, %get3A_865, %select_n3A_857 : vector<16xi1>, vector<16xi32>
      %get3A_873 = arith.constant 10 : i32
      %get3A_874 = arith.index_cast %get3A_873 : i32 to index
      %get3A_875 = arith.constant 48 : index
      %get3A_876 = tpu.vector_load %arg11[%get3A_874, %get3A_875] {strides = array<i32>} : memref<16x64xf32, #tpu.memory_space<vmem>>, vector<16xf32>,
      %get3A_877 = arith.constant 10 : i32
      %get3A_878 = arith.index_cast %get3A_877 : i32 to index
      %get3A_879 = arith.constant 48 : index
      %get3A_880 = tpu.vector_load %arg12[%get3A_878, %get3A_879] {strides = array<i32>} : memref<16x64xi32, #tpu.memory_space<vmem>>, vector<16xi32>,
      %gt3A_881 = arith.cmpf ogt, %get3A_876, %select_n3A_871 : vector<16xf32>
      %eq3A_882 = arith.cmpf oeq, %get3A_876, %select_n3A_871 : vector<16xf32>
      %lt3A_883 = arith.cmpi slt, %get3A_880, %select_n3A_872 : vector<16xi32>
      %and3A_884 = arith.andi %eq3A_882, %lt3A_883 : vector<16xi1>
      %or3A_885 = arith.ori %gt3A_881, %and3A_884 : vector<16xi1>
      %select_n3A_886 = arith.select %or3A_885, %get3A_876, %select_n3A_871 : vector<16xi1>, vector<16xf32>
      %select_n3A_887 = arith.select %or3A_885, %get3A_880, %select_n3A_872 : vector<16xi1>, vector<16xi32>
      %get3A_888 = arith.constant 11 : i32
      %get3A_889 = arith.index_cast %get3A_888 : i32 to index
      %get3A_890 = arith.constant 48 : index
      %get3A_891 = tpu.vector_load %arg11[%get3A_889, %get3A_890] {strides = array<i32>} : memref<16x64xf32, #tpu.memory_space<vmem>>, vector<16xf32>,
      %get3A_892 = arith.constant 11 : i32
      %get3A_893 = arith.index_cast %get3A_892 : i32 to index
      %get3A_894 = arith.constant 48 : index
      %get3A_895 = tpu.vector_load %arg12[%get3A_893, %get3A_894] {strides = array<i32>} : memref<16x64xi32, #tpu.memory_space<vmem>>, vector<16xi32>,
      %gt3A_896 = arith.cmpf ogt, %get3A_891, %select_n3A_886 : vector<16xf32>
      %eq3A_897 = arith.cmpf oeq, %get3A_891, %select_n3A_886 : vector<16xf32>
      %lt3A_898 = arith.cmpi slt, %get3A_895, %select_n3A_887 : vector<16xi32>
      %and3A_899 = arith.andi %eq3A_897, %lt3A_898 : vector<16xi1>
      %or3A_900 = arith.ori %gt3A_896, %and3A_899 : vector<16xi1>
      %select_n3A_901 = arith.select %or3A_900, %get3A_891, %select_n3A_886 : vector<16xi1>, vector<16xf32>
      %select_n3A_902 = arith.select %or3A_900, %get3A_895, %select_n3A_887 : vector<16xi1>, vector<16xi32>
      %get3A_903 = arith.constant 12 : i32
      %get3A_904 = arith.index_cast %get3A_903 : i32 to index
      %get3A_905 = arith.constant 48 : index
      %get3A_906 = tpu.vector_load %arg11[%get3A_904, %get3A_905] {strides = array<i32>} : memref<16x64xf32, #tpu.memory_space<vmem>>, vector<16xf32>,
      %get3A_907 = arith.constant 12 : i32
      %get3A_908 = arith.index_cast %get3A_907 : i32 to index
      %get3A_909 = arith.constant 48 : index
      %get3A_910 = tpu.vector_load %arg12[%get3A_908, %get3A_909] {strides = array<i32>} : memref<16x64xi32, #tpu.memory_space<vmem>>, vector<16xi32>,
      %gt3A_911 = arith.cmpf ogt, %get3A_906, %select_n3A_901 : vector<16xf32>
      %eq3A_912 = arith.cmpf oeq, %get3A_906, %select_n3A_901 : vector<16xf32>
      %lt3A_913 = arith.cmpi slt, %get3A_910, %select_n3A_902 : vector<16xi32>
      %and3A_914 = arith.andi %eq3A_912, %lt3A_913 : vector<16xi1>
      %or3A_915 = arith.ori %gt3A_911, %and3A_914 : vector<16xi1>
      %select_n3A_916 = arith.select %or3A_915, %get3A_906, %select_n3A_901 : vector<16xi1>, vector<16xf32>
      %select_n3A_917 = arith.select %or3A_915, %get3A_910, %select_n3A_902 : vector<16xi1>, vector<16xi32>
      %get3A_918 = arith.constant 13 : i32
      %get3A_919 = arith.index_cast %get3A_918 : i32 to index
      %get3A_920 = arith.constant 48 : index
      %get3A_921 = tpu.vector_load %arg11[%get3A_919, %get3A_920] {strides = array<i32>} : memref<16x64xf32, #tpu.memory_space<vmem>>, vector<16xf32>,
      %get3A_922 = arith.constant 13 : i32
      %get3A_923 = arith.index_cast %get3A_922 : i32 to index
      %get3A_924 = arith.constant 48 : index
      %get3A_925 = tpu.vector_load %arg12[%get3A_923, %get3A_924] {strides = array<i32>} : memref<16x64xi32, #tpu.memory_space<vmem>>, vector<16xi32>,
      %gt3A_926 = arith.cmpf ogt, %get3A_921, %select_n3A_916 : vector<16xf32>
      %eq3A_927 = arith.cmpf oeq, %get3A_921, %select_n3A_916 : vector<16xf32>
      %lt3A_928 = arith.cmpi slt, %get3A_925, %select_n3A_917 : vector<16xi32>
      %and3A_929 = arith.andi %eq3A_927, %lt3A_928 : vector<16xi1>
      %or3A_930 = arith.ori %gt3A_926, %and3A_929 : vector<16xi1>
      %select_n3A_931 = arith.select %or3A_930, %get3A_921, %select_n3A_916 : vector<16xi1>, vector<16xf32>
      %select_n3A_932 = arith.select %or3A_930, %get3A_925, %select_n3A_917 : vector<16xi1>, vector<16xi32>
      %get3A_933 = arith.constant 14 : i32
      %get3A_934 = arith.index_cast %get3A_933 : i32 to index
      %get3A_935 = arith.constant 48 : index
      %get3A_936 = tpu.vector_load %arg11[%get3A_934, %get3A_935] {strides = array<i32>} : memref<16x64xf32, #tpu.memory_space<vmem>>, vector<16xf32>,
      %get3A_937 = arith.constant 14 : i32
      %get3A_938 = arith.index_cast %get3A_937 : i32 to index
      %get3A_939 = arith.constant 48 : index
      %get3A_940 = tpu.vector_load %arg12[%get3A_938, %get3A_939] {strides = array<i32>} : memref<16x64xi32, #tpu.memory_space<vmem>>, vector<16xi32>,
      %gt3A_941 = arith.cmpf ogt, %get3A_936, %select_n3A_931 : vector<16xf32>
      %eq3A_942 = arith.cmpf oeq, %get3A_936, %select_n3A_931 : vector<16xf32>
      %lt3A_943 = arith.cmpi slt, %get3A_940, %select_n3A_932 : vector<16xi32>
      %and3A_944 = arith.andi %eq3A_942, %lt3A_943 : vector<16xi1>
      %or3A_945 = arith.ori %gt3A_941, %and3A_944 : vector<16xi1>
      %select_n3A_946 = arith.select %or3A_945, %get3A_936, %select_n3A_931 : vector<16xi1>, vector<16xf32>
      %select_n3A_947 = arith.select %or3A_945, %get3A_940, %select_n3A_932 : vector<16xi1>, vector<16xi32>
      %get3A_948 = arith.constant 15 : i32
      %get3A_949 = arith.index_cast %get3A_948 : i32 to index
      %get3A_950 = arith.constant 48 : index
      %get3A_951 = tpu.vector_load %arg11[%get3A_949, %get3A_950] {strides = array<i32>} : memref<16x64xf32, #tpu.memory_space<vmem>>, vector<16xf32>,
      %get3A_952 = arith.constant 15 : i32
      %get3A_953 = arith.index_cast %get3A_952 : i32 to index
      %get3A_954 = arith.constant 48 : index
      %get3A_955 = tpu.vector_load %arg12[%get3A_953, %get3A_954] {strides = array<i32>} : memref<16x64xi32, #tpu.memory_space<vmem>>, vector<16xi32>,
      %gt3A_956 = arith.cmpf ogt, %get3A_951, %select_n3A_946 : vector<16xf32>
      %eq3A_957 = arith.cmpf oeq, %get3A_951, %select_n3A_946 : vector<16xf32>
      %lt3A_958 = arith.cmpi slt, %get3A_955, %select_n3A_947 : vector<16xi32>
      %and3A_959 = arith.andi %eq3A_957, %lt3A_958 : vector<16xi1>
      %or3A_960 = arith.ori %gt3A_956, %and3A_959 : vector<16xi1>
      %select_n3A_961 = arith.select %or3A_960, %get3A_951, %select_n3A_946 : vector<16xi1>, vector<16xf32>
      %select_n3A_962 = arith.select %or3A_960, %get3A_955, %select_n3A_947 : vector<16xi1>, vector<16xi32>
      %gt3A_963 = arith.constant -5.000000e-01 : f32
      %gt3A_964 = vector.broadcast %gt3A_963 : f32 to vector<16xf32>
      %gt3A_965 = arith.cmpf ogt, %select_n3A_961, %gt3A_964 : vector<16xf32>
      %jit3A_966 = arith.constant 0 : i32
      %broadcast_in_dim3A_967 = vector.broadcast %jit3A_966 : i32 to vector<16xi32>
      %select_n3A_968 = arith.select %gt3A_965, %select_n3A_962, %broadcast_in_dim3A_967 : vector<16xi1>, vector<16xi32>
      %swap3A_969 = arith.constant 48 : index
      %swap3A_970 = tpu.vector_load %arg9[%swap3A_969] {strides = array<i32>} : memref<64xf32, #tpu.memory_space<vmem>>, vector<16xf32>,
      tpu.vector_store %arg9[%swap3A_969], %select_n3A_961 {strides = array<i32>} : memref<64xf32, #tpu.memory_space<vmem>>, vector<16xf32>,
      %swap3A_971 = arith.constant 48 : index
      %swap3A_972 = tpu.vector_load %arg10[%swap3A_971] {strides = array<i32>} : memref<64xi32, #tpu.memory_space<vmem>>, vector<16xi32>,
      tpu.vector_store %arg10[%swap3A_971], %select_n3A_968 {strides = array<i32>} : memref<64xi32, #tpu.memory_space<vmem>>, vector<16xi32>,
      "tpu.region"() ({
        %run_scoped3A = tpu.sem_alloc : memref<!tpu.dma_semaphore, #tpu.memory_space<semaphore_mem>>
        tpu.enqueue_dma source(%arg9 : memref<64xf32, #tpu.memory_space<vmem>>) target(%arg6 : memref<64xf32, #tpu.memory_space<hbm>>) target_semaphore(%run_scoped3A : memref<!tpu.dma_semaphore, #tpu.memory_space<semaphore_mem>>)
        tpu.wait_dma2 semaphore(%run_scoped3A : memref<!tpu.dma_semaphore, #tpu.memory_space<semaphore_mem>>) src(%arg9 : memref<64xf32, #tpu.memory_space<vmem>>) dst(%arg6 : memref<64xf32, #tpu.memory_space<hbm>>)
        tpu.yield
      }) : () -> ()
      "tpu.region"() ({
        %run_scoped3A = tpu.sem_alloc : memref<!tpu.dma_semaphore, #tpu.memory_space<semaphore_mem>>
        tpu.enqueue_dma source(%arg13 : memref<64x8xf32, #tpu.memory_space<vmem>>) target(%arg5 : memref<64x8xf32, #tpu.memory_space<hbm>>) target_semaphore(%run_scoped3A : memref<!tpu.dma_semaphore, #tpu.memory_space<semaphore_mem>>)
        tpu.wait_dma2 semaphore(%run_scoped3A : memref<!tpu.dma_semaphore, #tpu.memory_space<semaphore_mem>>) src(%arg13 : memref<64x8xf32, #tpu.memory_space<vmem>>) dst(%arg5 : memref<64x8xf32, #tpu.memory_space<hbm>>)
        tpu.yield
      }) : () -> ()
    } else {
    }
    return
  }
}

module attributes {stable_mosaic.version = 14 : i64} {
  func.func @_tc_loss_kernel(%arg0: memref<784x128xf32, #tpu.memory_space<vmem>>, %arg1: memref<784x128xi32, #tpu.memory_space<vmem>>, %arg2: memref<784x128xf32, #tpu.memory_space<vmem>>, %arg3: memref<784x128xf32, #tpu.memory_space<vmem>>, %arg4: memref<784x128xf32, #tpu.memory_space<vmem>>, %arg5: memref<1x64xf32, #tpu.memory_space<vmem>>, %arg6: memref<1x64xf32, #tpu.memory_space<vmem>>, %arg7: memref<1x64xf32, #tpu.memory_space<vmem>>, %arg8: memref<1x64xf32, #tpu.memory_space<vmem>>, %arg9: memref<1x64xf32, #tpu.memory_space<vmem>>, %arg10: memref<1x1xf32, #tpu.memory_space<smem>>) attributes {dimension_semantics = [], scalar_prefetch = 0 : i64, scratch_operands = 0 : i64, tpu.core_type = #tpu.core_type<tc>} {
    %get3A = arith.constant 0 : index
    %get3A_0 = arith.constant 0 : index
    %get3A_1 = vector.load %arg0[%get3A, %get3A_0] : memref<784x128xf32, #tpu.memory_space<vmem>>, vector<784x128xf32>
    %get3A_2 = arith.constant 0 : index
    %get3A_3 = arith.constant 0 : index
    %get3A_4 = vector.load %arg1[%get3A_2, %get3A_3] : memref<784x128xi32, #tpu.memory_space<vmem>>, vector<784x128xi32>
    %get3A_5 = arith.constant 0 : index
    %get3A_6 = arith.constant 0 : index
    %get3A_7 = vector.load %arg2[%get3A_5, %get3A_6] : memref<784x128xf32, #tpu.memory_space<vmem>>, vector<784x128xf32>
    %get3A_8 = arith.constant 0 : index
    %get3A_9 = arith.constant 0 : index
    %get3A_10 = vector.load %arg3[%get3A_8, %get3A_9] : memref<784x128xf32, #tpu.memory_space<vmem>>, vector<784x128xf32>
    %get3A_11 = arith.constant 0 : index
    %get3A_12 = arith.constant 0 : index
    %get3A_13 = vector.load %arg4[%get3A_11, %get3A_12] : memref<784x128xf32, #tpu.memory_space<vmem>>, vector<784x128xf32>
    %add3A = arith.constant 1.000000e+00 : f32
    %add3A_14 = vector.broadcast %add3A : f32 to vector<784x128xf32>
    %add3A_15 = arith.addf %add3A_14, %get3A_1 : vector<784x128xf32>
    %sub3A = arith.constant 1.000000e+00 : f32
    %sub3A_16 = vector.broadcast %sub3A : f32 to vector<784x128xf32>
    %sub3A_17 = arith.subf %sub3A_16, %get3A_1 : vector<784x128xf32>
    %div3A = arith.divf %add3A_15, %sub3A_17 : vector<784x128xf32>
    %log3A = math.log %div3A : vector<784x128xf32>
    %mul3A = arith.constant 5.000000e-01 : f32
    %mul3A_18 = vector.broadcast %mul3A : f32 to vector<784x128xf32>
    %mul3A_19 = arith.mulf %mul3A_18, %log3A : vector<784x128xf32>
    %mul3A_20 = arith.mulf %mul3A_19, %mul3A_19 : vector<784x128xf32>
    %add3A_21 = arith.constant 0.00999999977 : f32
    %add3A_22 = vector.broadcast %add3A_21 : f32 to vector<784x128xf32>
    %add3A_23 = arith.addf %mul3A_20, %add3A_22 : vector<784x128xf32>
    %iota3A = tpu.iota {dimensions = array<i32: 0>} : vector<784x128xi32>
    %iota3A_24 = tpu.iota {dimensions = array<i32: 1>} : vector<784x128xi32>
    %mul3A_25 = arith.constant 128 : i32
    %mul3A_26 = vector.broadcast %mul3A_25 : i32 to vector<784x128xi32>
    %mul3A_27 = arith.muli %iota3A, %mul3A_26 : vector<784x128xi32>
    %add3A_28 = arith.addi %mul3A_27, %iota3A_24 : vector<784x128xi32>
    %lt3A = arith.constant 100000 : i32
    %lt3A_29 = vector.broadcast %lt3A : i32 to vector<784x128xi32>
    %lt3A_30 = arith.cmpi slt, %add3A_28, %lt3A_29 : vector<784x128xi32>
    %jit3A = arith.constant 0.000000e+00 : f32
    %broadcast_in_dim3A = vector.broadcast %jit3A : f32 to vector<784x128xf32>
    %select_n3A = arith.select %lt3A_30, %add3A_23, %broadcast_in_dim3A : vector<784x128xi1>, vector<784x128xf32>
    %get3A_31 = arith.constant 0 : index
    %get3A_32 = arith.constant 0 : index
    %get3A_33 = vector.load %arg8[%get3A_31, %get3A_32] : memref<1x64xf32, #tpu.memory_space<vmem>>, vector<1x64xf32>
    %add3A_34 = arith.constant 1.000000e+00 : f32
    %add3A_35 = vector.broadcast %add3A_34 : f32 to vector<1x64xf32>
    %add3A_36 = arith.addf %add3A_35, %get3A_33 : vector<1x64xf32>
    %sub3A_37 = arith.constant 1.000000e+00 : f32
    %sub3A_38 = vector.broadcast %sub3A_37 : f32 to vector<1x64xf32>
    %sub3A_39 = arith.subf %sub3A_38, %get3A_33 : vector<1x64xf32>
    %div3A_40 = arith.divf %add3A_36, %sub3A_39 : vector<1x64xf32>
    %log3A_41 = math.log %div3A_40 : vector<1x64xf32>
    %mul3A_42 = arith.constant 5.000000e-01 : f32
    %mul3A_43 = vector.broadcast %mul3A_42 : f32 to vector<1x64xf32>
    %mul3A_44 = arith.mulf %mul3A_43, %log3A_41 : vector<1x64xf32>
    %get3A_45 = arith.constant 0 : index
    %get3A_46 = arith.constant 0 : index
    %get3A_47 = vector.load %arg9[%get3A_45, %get3A_46] : memref<1x64xf32, #tpu.memory_space<vmem>>, vector<1x64xf32>
    %gt3A = arith.constant -5.000000e-01 : f32
    %gt3A_48 = vector.broadcast %gt3A : f32 to vector<1x64xf32>
    %gt3A_49 = arith.cmpf ogt, %get3A_47, %gt3A_48 : vector<1x64xf32>
    %mul3A_50 = arith.mulf %mul3A_44, %mul3A_44 : vector<1x64xf32>
    %add3A_51 = arith.constant 0.00999999977 : f32
    %add3A_52 = vector.broadcast %add3A_51 : f32 to vector<1x64xf32>
    %add3A_53 = arith.addf %mul3A_50, %add3A_52 : vector<1x64xf32>
    %jit3A_54 = arith.constant 0.000000e+00 : f32
    %broadcast_in_dim3A_55 = vector.broadcast %jit3A_54 : f32 to vector<1x64xf32>
    %select_n3A_56 = arith.select %gt3A_49, %add3A_53, %broadcast_in_dim3A_55 : vector<1x64xi1>, vector<1x64xf32>
    %get3A_57 = arith.constant 0 : index
    %get3A_58 = arith.constant 0 : index
    %get3A_59 = vector.load %arg5[%get3A_57, %get3A_58] : memref<1x64xf32, #tpu.memory_space<vmem>>, vector<1x64xf32>
    %get3A_60 = arith.constant 0 : index
    %get3A_61 = arith.constant 0 : index
    %get3A_62 = vector.load %arg6[%get3A_60, %get3A_61] : memref<1x64xf32, #tpu.memory_space<vmem>>, vector<1x64xf32>
    %get3A_63 = arith.constant 0 : index
    %get3A_64 = arith.constant 0 : index
    %get3A_65 = vector.load %arg7[%get3A_63, %get3A_64] : memref<1x64xf32, #tpu.memory_space<vmem>>, vector<1x64xf32>
    %iota3A_66 = tpu.iota {dimensions = array<i32: 1>} : vector<1x64xi32>
    %scan3A = arith.constant 0.000000e+00 : f32
    %scan3A_67 = arith.constant 1 : i32
    %scan3A_68 = arith.constant 49 : i32
    %scan3A_69 = arith.addi %scan3A_67, %scan3A_68 : i32
    %scan3A_70 = arith.constant 1 : i32
    %scan3A_71 = scf.for %scan3A_77 = %scan3A_67 to %scan3A_69 step %scan3A_70 iter_args(%scan3A_78 = %scan3A) -> (f32)  : i32 {
      %eq3A = vector.broadcast %scan3A_77 : i32 to vector<1x64xi32>
      %eq3A_79 = arith.cmpi eq, %iota3A_66, %eq3A : vector<1x64xi32>
      %jit3A_80 = arith.constant 0.000000e+00 : f32
      %broadcast_in_dim3A_81 = vector.broadcast %jit3A_80 : f32 to vector<1x64xf32>
      %select_n3A_82 = arith.select %eq3A_79, %select_n3A_56, %broadcast_in_dim3A_81 : vector<1x64xi1>, vector<1x64xf32>
      %reduce_sum3A = vector.shape_cast %select_n3A_82 : vector<1x64xf32> to vector<1x1x64xf32>
      %reduce_sum3A_83 = arith.constant dense<0.000000e+00> : vector<1xf32>
      %reduce_sum3A_84 = vector.multi_reduction <add>, %reduce_sum3A, %reduce_sum3A_83 [1, 2] : vector<1x1x64xf32> to vector<1xf32>
      %reduce_sum3A_85 = vector.shape_cast %reduce_sum3A_84 : vector<1xf32> to vector<1x1x1xf32>
      %reduce_sum3A_86 = vector.extract %reduce_sum3A_85[0, 0, 0] : f32 from vector<1x1x1xf32>
      %jit3A_87 = arith.constant 0.000000e+00 : f32
      %broadcast_in_dim3A_88 = vector.broadcast %jit3A_87 : f32 to vector<1x64xf32>
      %select_n3A_89 = arith.select %eq3A_79, %get3A_59, %broadcast_in_dim3A_88 : vector<1x64xi1>, vector<1x64xf32>
      %reduce_sum3A_90 = vector.shape_cast %select_n3A_89 : vector<1x64xf32> to vector<1x1x64xf32>
      %reduce_sum3A_91 = arith.constant dense<0.000000e+00> : vector<1xf32>
      %reduce_sum3A_92 = vector.multi_reduction <add>, %reduce_sum3A_90, %reduce_sum3A_91 [1, 2] : vector<1x1x64xf32> to vector<1xf32>
      %reduce_sum3A_93 = vector.shape_cast %reduce_sum3A_92 : vector<1xf32> to vector<1x1x1xf32>
      %reduce_sum3A_94 = vector.extract %reduce_sum3A_93[0, 0, 0] : f32 from vector<1x1x1xf32>
      %jit3A_95 = arith.constant 0.000000e+00 : f32
      %broadcast_in_dim3A_96 = vector.broadcast %jit3A_95 : f32 to vector<1x64xf32>
      %select_n3A_97 = arith.select %eq3A_79, %get3A_62, %broadcast_in_dim3A_96 : vector<1x64xi1>, vector<1x64xf32>
      %reduce_sum3A_98 = vector.shape_cast %select_n3A_97 : vector<1x64xf32> to vector<1x1x64xf32>
      %reduce_sum3A_99 = arith.constant dense<0.000000e+00> : vector<1xf32>
      %reduce_sum3A_100 = vector.multi_reduction <add>, %reduce_sum3A_98, %reduce_sum3A_99 [1, 2] : vector<1x1x64xf32> to vector<1xf32>
      %reduce_sum3A_101 = vector.shape_cast %reduce_sum3A_100 : vector<1xf32> to vector<1x1x1xf32>
      %reduce_sum3A_102 = vector.extract %reduce_sum3A_101[0, 0, 0] : f32 from vector<1x1x1xf32>
      %jit3A_103 = arith.constant 0.000000e+00 : f32
      %broadcast_in_dim3A_104 = vector.broadcast %jit3A_103 : f32 to vector<1x64xf32>
      %select_n3A_105 = arith.select %eq3A_79, %get3A_65, %broadcast_in_dim3A_104 : vector<1x64xi1>, vector<1x64xf32>
      %reduce_sum3A_106 = vector.shape_cast %select_n3A_105 : vector<1x64xf32> to vector<1x1x64xf32>
      %reduce_sum3A_107 = arith.constant dense<0.000000e+00> : vector<1xf32>
      %reduce_sum3A_108 = vector.multi_reduction <add>, %reduce_sum3A_106, %reduce_sum3A_107 [1, 2] : vector<1x1x64xf32> to vector<1xf32>
      %reduce_sum3A_109 = vector.shape_cast %reduce_sum3A_108 : vector<1xf32> to vector<1x1x1xf32>
      %reduce_sum3A_110 = vector.extract %reduce_sum3A_109[0, 0, 0] : f32 from vector<1x1x1xf32>
      %sub3A_111 = vector.broadcast %reduce_sum3A_94 : f32 to vector<784x128xf32>
      %sub3A_112 = arith.subf %get3A_7, %sub3A_111 : vector<784x128xf32>
      %sub3A_113 = vector.broadcast %reduce_sum3A_102 : f32 to vector<784x128xf32>
      %sub3A_114 = arith.subf %get3A_10, %sub3A_113 : vector<784x128xf32>
      %sub3A_115 = vector.broadcast %reduce_sum3A_110 : f32 to vector<784x128xf32>
      %sub3A_116 = arith.subf %get3A_13, %sub3A_115 : vector<784x128xf32>
      %mul3A_117 = arith.mulf %sub3A_112, %sub3A_112 : vector<784x128xf32>
      %mul3A_118 = arith.mulf %sub3A_114, %sub3A_114 : vector<784x128xf32>
      %add3A_119 = arith.addf %mul3A_117, %mul3A_118 : vector<784x128xf32>
      %mul3A_120 = arith.mulf %sub3A_116, %sub3A_116 : vector<784x128xf32>
      %add3A_121 = arith.addf %add3A_119, %mul3A_120 : vector<784x128xf32>
      %sqrt3A = math.sqrt %add3A_121 : vector<784x128xf32>
      %sub3A_122 = arith.constant 1.000000e+00 : f32
      %sub3A_123 = vector.broadcast %sub3A_122 : f32 to vector<784x128xf32>
      %sub3A_124 = arith.subf %sub3A_123, %sqrt3A : vector<784x128xf32>
      %max3A = arith.constant 0.000000e+00 : f32
      %max3A_125 = vector.broadcast %max3A : f32 to vector<784x128xf32>
      %max3A_126 = arith.maximumf %sub3A_124, %max3A_125 : vector<784x128xf32>
      %eq3A_127 = vector.broadcast %scan3A_77 : i32 to vector<784x128xi32>
      %eq3A_128 = arith.cmpi eq, %get3A_4, %eq3A_127 : vector<784x128xi32>
      %mul3A_129 = arith.constant 1.000000e+01 : f32
      %mul3A_130 = vector.broadcast %mul3A_129 : f32 to vector<784x128xf32>
      %mul3A_131 = arith.mulf %mul3A_130, %max3A_126 : vector<784x128xf32>
      %select_n3A_132 = arith.select %eq3A_128, %add3A_121, %mul3A_131 : vector<784x128xi1>, vector<784x128xf32>
      %mul3A_133 = arith.mulf %select_n3A, %select_n3A_132 : vector<784x128xf32>
      %reduce_sum3A_134 = vector.shape_cast %mul3A_133 : vector<784x128xf32> to vector<1x784x128xf32>
      %reduce_sum3A_135 = arith.constant dense<0.000000e+00> : vector<1xf32>
      %reduce_sum3A_136 = vector.multi_reduction <add>, %reduce_sum3A_134, %reduce_sum3A_135 [1, 2] : vector<1x784x128xf32> to vector<1xf32>
      %reduce_sum3A_137 = vector.shape_cast %reduce_sum3A_136 : vector<1xf32> to vector<1x1x1xf32>
      %reduce_sum3A_138 = vector.extract %reduce_sum3A_137[0, 0, 0] : f32 from vector<1x1x1xf32>
      %mul3A_139 = arith.mulf %reduce_sum3A_86, %reduce_sum3A_138 : f32
      %add3A_140 = arith.addf %scan3A_78, %mul3A_139 : f32
      scf.yield %add3A_140 : f32
    }
    %scan3A_72 = arith.constant 49 : i32
    %mul3A_73 = arith.constant 9.99999974E-6 : f32
    %mul3A_74 = arith.mulf %scan3A_71, %mul3A_73 : f32
    %swap3A = arith.constant 0 : index
    %swap3A_75 = arith.constant 0 : index
    %swap3A_76 = memref.load %arg10[%swap3A, %swap3A_75] : memref<1x1xf32, #tpu.memory_space<smem>>
    memref.store %mul3A_74, %arg10[%swap3A, %swap3A_75] : memref<1x1xf32, #tpu.memory_space<smem>>
    return
  }
}

</mosaic_0001>

<sc_bundles>
// kernel: kernel.4.cloned.1.call-start
scs
__scs_entry_jumppad:
0x0: {  	(pc) =	sbr.rel $0x88, $3  }
0x1: {  	(tag) =	ssettag $0x0;
	lr =	simm.s32 $0x1  }
0x2: {  	[smem:$0x3F9E] =	sst lr;
	_ =	strace $0xD0000000  }
0x3: {  	_ = 	snop  }
0x4: {  	_ = 	snop  }
0x5: {  	_ = 	snop  }
0x6: {  	_ = 	snop  }
0x7: {  	_ = 	snop  }
__scs_overlays_trampoline_lowered:
0x8: {  	[smem:$0x3FAD] =	sst s0  }
0x9: {  	[smem:$0x3FAE] =	sst s1  }
0xa: {  	[smem:$0x3FAF] =	sst s2  }
0xb: {  	[smem:$0x3FB0] =	sst s3  }
0xc: {  	[smem:$0x3FB1] =	sst s4  }
0xd: {  	[smem:$0x3FB2] =	sst s5  }
0xe: {  	[smem:$0x3FB3] =	sst s6  }
0xf: {  	[smem:$0x3FB4] =	sst s7  }
0x10: {  	[smem:$0x3FB5] =	sst s8  }
0x11: {  	[smem:$0x3FB6] =	sst s9;
	s0 =	simm.s32 @!p0 $0x0  }
0x12: {  	s1 =	sld [smem:$0x3F9C];
	s0 =	simm.s32 @p0 $0x1  }
0x13: {  	[smem:$0x3FB7] =	sst s0;
	s0 =	simm.s32 @!p1 $0x0  }
0x14: {  	s2 =	sld [smem:$0x3F9B];
	s0 =	simm.s32 @p1 $0x1  }
0x15: {  	[smem:$0x3FB8] =	sst s0;
	s0 =	simm.s32 @!p2 $0x0  }
0x16: {  	s3 =	sld [smem:$0x3FDB];
	s0 =	simm.s32 @p2 $0x1  }
0x17: {  	s4 =	simm.s32 $0x1BF5;
	[smem:$0x3FBA] =	sst s0  }
0x18: {  	s0 =	sld [smem:$0x3F9D];
	_ =	swait.ge [sflag:s4], $0x0  }
0x19: {  	s7 =	sld [smem:$0x3F9E]  }
0x1a: {  	s8 =	sadd.s32 $0xFFFFE003, lr  }
0x1b: {  	s9 =	sadd.s32 $0xFFFFFEF7, lr;
	s5 =	simm.s32 $0xFFFFFFFF;
	p2 =	slt.u32 s8, $0xFFFFF086  }
0x1c: {  	p1 =	slt.u32 s9, $0xF7A;
	s5 =	simm.s32 @!p2 $0x0  }
0x1d: {  	s5 =	simm.s32 @p1 $0x1;
	p0 =	seq.s32 s7, s2  }
0x1e: {  	s7 =	smul.u32 @!p0 $0xF7A, s2;
	p2 =	seq.s32 @!p0 s5, $0x0  }
0x1f: {  	s9 =	smul.u32 $0xF7A, s1;
	s8 =	simm.s32 @!p0 $0x1BF5;
	p2 =	por !p2, p0  }
0x20: {  	[sflag:s8] =	ssyncset.s32 @!p0 $0xFFFFF086;
	s6 =	sadd.s32 @!p0 s3, s7;
	s7 =	simm.s32 @!p0 $0x108  }
0x21: {  	s3 =	sadd.s32 s3, s9;
	s6 =	sadd.s32 @!p0 $0x88, s6;
	s7 =	simm.s32 @p2 $0x1082  }
0x22: {  	[simem:s7], [sflag:s8] =	dma.local @!p0 [hbm:s6], $0xF7A  }
0x23: {  	s9 =	sor.u32 $0xD0000000, s2;
	s6 =	simm.s32 $0x108;
	_ =	swait.ge @!p0 [sflag:s8], $0x0  }
0x24: {  	s3 =	sadd.s32 $0x88, s3;
	s6 =	simm.s32 @!p1 $0x1082;
	[sflag:s4] =	ssyncset.s32 $0xFFFFF086  }
0x25: {  	[simem:s6], [sflag:s4] =	dma.local [hbm:s3], $0xF7A  }
0x26: {  	[smem:$0x3F9E] =	sst s1;
	(tag) =	ssettag s2;
	_ =	strace s9  }
0x27: {  	s1 =	sld [smem:$0x3FAE]  }
0x28: {  	s2 =	sld [smem:$0x3FAF]  }
0x29: {  	s4 =	sld [smem:$0x3FB1]  }
0x2a: {  	p0 =	seq.s32 s5, $0x0;
	s5 =	sld [smem:$0x3FB2]  }
0x2b: {  	s6 =	sld [smem:$0x3FB3]  }
0x2c: {  	s7 =	sld [smem:$0x3FB4]  }
0x2d: {  	s3 =	simm.s32 $0x108;
	s8 =	sld [smem:$0x3FB5]  }
0x2e: {  	s3 =	simm.s32 @!p0 $0x1082;
	s9 =	sld [smem:$0x3FB6]  }
0x2f: {  	lr =	sadd.s32 s0, s3;
	s0 =	sld [smem:$0x3FAD]  }
0x30: {  	s3 =	sld [smem:$0x3FB0]  }
0x31: {  	[smem:$0x3FB9] =	sst s10  }
0x32: {  	s10 =	sld [smem:$0x3FB7];
	_ =	sdelay $0x3  }
0x33: {  	p0 =	seq.s32 s10, $0x1;
	s10 =	sld [smem:$0x3FB9];
	_ =	sdelay $0x3  }
0x34: {  	[smem:$0x3FB9] =	sst s10  }
0x35: {  	s10 =	sld [smem:$0x3FB8];
	_ =	sdelay $0x3  }
0x36: {  	p1 =	seq.s32 s10, $0x1;
	s10 =	sld [smem:$0x3FB9];
	_ =	sdelay $0x3  }
0x37: {  	[smem:$0x3FB9] =	sst s10  }
0x38: {  	s10 =	sld [smem:$0x3FBA]  }
0x39: {  	_ = 	snop;
	(pc) =	sbr.ind lr, $3  }
0x3a: {  	_ = 	snop  }
0x3b: {  	_ = 	snop  }
0x3c: {  	p2 =	seq.s32 s10, $0x1;
	s10 =	sld [smem:$0x3FB9]  }
0x3d: {  	_ =	shalt  }
0x3e: {  	_ =	shalt  }
0x3f: {  	_ =	shalt  }
0x40: {  	_ =	shalt  }
0x41: {  	_ =	shalt  }
0x42: {  	_ =	shalt  }
0x43: {  	_ =	shalt  }
0x44: {  	_ =	shalt  }
0x45: {  	_ =	shalt  }
0x46: {  	_ =	shalt  }
0x47: {  	_ =	shalt  }
0x48: {  	_ =	shalt  }
0x49: {  	_ =	shalt  }
0x4a: {  	_ =	shalt  }
0x4b: {  	_ =	shalt  }
0x4c: {  	_ =	shalt  }
0x4d: {  	_ =	shalt  }
0x4e: {  	_ =	shalt  }
0x4f: {  	_ =	shalt  }
0x50: {  	_ =	shalt  }
0x51: {  	_ =	shalt  }
0x52: {  	_ =	shalt  }
0x53: {  	_ =	shalt  }
0x54: {  	_ =	shalt  }
0x55: {  	_ =	shalt  }
0x56: {  	_ =	shalt  }
0x57: {  	_ =	shalt  }
0x58: {  	_ =	shalt  }
0x59: {  	_ =	shalt  }
0x5a: {  	_ =	shalt  }
0x5b: {  	_ =	shalt  }
0x5c: {  	_ =	shalt  }
0x5d: {  	_ =	shalt  }
0x5e: {  	_ =	shalt  }
0x5f: {  	_ =	shalt  }
0x60: {  	_ =	shalt  }
0x61: {  	_ =	shalt  }
0x62: {  	_ =	shalt  }
0x63: {  	_ =	shalt  }
0x64: {  	_ =	shalt  }
0x65: {  	_ =	shalt  }
0x66: {  	_ =	shalt  }
0x67: {  	_ =	shalt  }
0x68: {  	_ =	shalt  }
0x69: {  	_ =	shalt  }
0x6a: {  	_ =	shalt  }
0x6b: {  	_ =	shalt  }
0x6c: {  	_ =	shalt  }
0x6d: {  	_ =	shalt  }
0x6e: {  	_ =	shalt  }
0x6f: {  	_ =	shalt  }
0x70: {  	_ =	shalt  }
0x71: {  	_ =	shalt  }
0x72: {  	_ =	shalt  }
0x73: {  	_ =	shalt  }
0x74: {  	_ =	shalt  }
0x75: {  	_ =	shalt  }
0x76: {  	_ =	shalt  }
0x77: {  	_ =	shalt  }
0x78: {  	_ =	shalt  }
0x79: {  	_ =	shalt  }
0x7a: {  	_ =	shalt  }
0x7b: {  	_ =	shalt  }
0x7c: {  	_ =	shalt  }
0x7d: {  	_ =	shalt  }
0x7e: {  	_ =	shalt  }
0x7f: {  	_ =	shalt  }
0x80: {  	_ =	shalt  }
0x81: {  	_ =	shalt  }
0x82: {  	_ =	shalt  }
0x83: {  	_ =	shalt  }
0x84: {  	_ =	shalt  }
0x85: {  	_ =	shalt  }
0x86: {  	_ =	shalt  }
0x87: {  	_ =	shalt  }
.Lfunc_end0:
.L_simem_size_0:
called_computation_lowered:
.L_overlay_start_0:
0x88: {  	s2 =	sld [smem:$0x3FD9]  }
0x89: {  	s3 =	sld [smem:$0x3FFE];
	_ =	sdelay $0x1  }
0x8a: {  	s1 =	srdreg.scid  }
0x8b: {  	s0 =	sand.u32 $0x1, s1  }
0x8c: {  	s17 =	sshll.u32 s0, $0xA;
	s2 =	sadd.s32 s3, s2  }
0x8d: {  	s2 =	sadd.s32 s2, s17  }
0x8e: {  	[smem:$0x3FC5] =	sst s2  }
0x8f: {  	_ = 	snop  }
0x90: {  	s2 =	sld [smem:$0x3FD0];
	(tm) =	ssettm $0x1  }
0x91: {  	s18 =	sld [smem:$0x3FFB];
	_ =	sdelay $0x3  }
0x92: {  	_ =	strace s18  }
0x93: {  	s3 =	sld [smem:$0x3FFC];
	_ =	sdelay $0x3  }
0x94: {  	_ =	strace s3  }
0x95: {  	s3 =	sld [smem:$0x3FFD];
	_ =	sdelay $0x3  }
0x96: {  	_ =	strace s3  }
0x97: {  	_ =	strace $0x8FFFFFFF  }
0x98: {  	s19 =	sld [smem:$0x3FDB];
	_ =	sdelay $0x1  }
0x99: {  	s4 =	simm.s32 $_scs_section_size  }
0x9a: {  	s5 =	simm.s32 $_size__tile_overlayer_lowered;
	s6 =	simm.s32 $_tile_overlayer_lowered  }
0x9b: {  	s22 =	simm.s32 $0x1BFF;
	s21 =	sshll.u32 s6, $0x1;
	s3 =	sadd.s32 s4, s19  }
0x9c: {  	s7 =	simm.s32 $0x0;
	s20 =	sshll.u32 s5, $0x1;
	s5 =	sadd.s32 s21, s3  }
0x9d: {  	[timem:s7], [sflag:s22] =	dma.local [hbm:s5], s20  }
0x9e: {  	_ =	swait.ge [sflag:s22], s20  }
0x9f: {  	s4 =	ssub.s32 $0x0, s20;
	[sflag:s22] =	ssyncset.done $0x0  }
0xa0: {  	[sflag:s22] =	ssyncadd.s32 s4;
	_ =	sdelay $0x1  }
0xa1: {  	s23 =	simm.s32 $0x1B8B  }
0xa2: {  	_ =	swait.ge [sflag:s23], $0x1  }
0xa3: {  	[sflag:s23] =	ssyncset.done $0x0  }
0xa4: {  	s25 =	simm.s32 $0x1B8E;
	s24 =	sld [smem:$0x3FFE];
	[sflag:s23] =	ssyncadd.s32 $0xFFFFFFFF  }
0xa5: {  	s26 =	simm.s32 $execute0_lowered;
	[smem:$0x3FD2] =	sst s25  }
0xa6: {  	s5 =	sshll.u32 s26, $0x1;
	_ =	strace $0x80000046;
	[dreg:$0x1] =	wrdreg $0xFFFFFFFF  }
0xa7: {  	s28 =	simm.s32 $_size_execute0_lowered;
	s3 =	sadd.s32 s3, s5;
	[dreg:$0x0] =	wrdreg $0x0  }
0xa8: {  	s5 =	sshll.u32 s28, $0x1;
	[dreg:$0x2] =	wrdreg s3  }
0xa9: {  	[dreg:$0x3] =	wrdreg s5  }
0xaa: {  	[dreg:$0x4] =	wrdreg $0xC0  }
0xab: {  	_ =	task [dreg:s7], $0x5FFFF  }
0xac: {  	[dreg:$0x1] =	wrdreg $0xFFFFFFFF  }
0xad: {  	[dreg:$0x0] =	wrdreg $0x60  }
0xae: {  	[dreg:$0x2] =	wrdreg s24  }
0xaf: {  	[dreg:$0x3] =	wrdreg s2  }
0xb0: {  	[dreg:$0x4] =	wrdreg $0x62000  }
0xb1: {  	[dreg:$0x5] =	wrdreg $0x62400  }
0xb2: {  	[dreg:$0x6] =	wrdreg $0x9  }
0xb3: {  	_ =	task.clear_ibuf [dreg:s7], $0x7FFFF;
	_ =	strace $0x90000046  }
0xb4: {  	s29 =	simm.s32 $0x9;
	_ =	strace $0x80000048  }
0xb5: {  	_ =	swait.ge [sflag:s29], $0x1  }
0xb6: {  	[sflag:s29] =	ssyncadd.s32 $0xFFFFFFFF  }
0xb7: {  	_ =	strace $0x90000048  }
0xb8: {  	_ =	sfence  }
0xb9: {  	s30 =	sld [smem:$0x0];
	_ =	sdelay $0x2  }
0xba: {  	s31 =	sshll.u32 s1, $0xD;
	s1 =	sshrl.u32 s1, $0x2  }
0xbb: {  	s3 =	sand.u32 $0x4000, s31;
	s1 =	sadd.s32 s1, s30  }
0xbc: {  	s0 =	sor.u32 s3, s0;
	s1 =	sshll.u32 s1, $0x11  }
0xbd: {  	s0 =	sor.u32 s1, s0  }
0xbe: {  	s0 =	sadd.s32 $0x8F2B, s0  }
0xbf: {  	[sflag:s0] =	ssyncadd.remote.s32 $0x1  }
0xc0: {  	_ =	sfence.sel $0xFFFF  }
0xc1: {  	[dreg:$0x0] =	wrdreg $0xFFFFFFFF;
	(pc) =	sbr.abs _section_cstart, $3  }
0xc2: {  	[dreg:$0x1] =	wrdreg $0xFFFFFFFF  }
0xc3: {  	_ =	task.clear_ibuf [dreg:s7], $0x2FFFF;
	_ =	strace $0x9FFFFFFF  }
0xc4: {  	(tm) =	ssettm $0x7FFFFFFF  }
0xc5: {  	_ =	shalt  }
tec
execute0_lowered:
.L_overlay_start_1:
0x0: {  	(tag) =	ssettag $0x1  }
0x1: {  	s7 =	rddreg [dreg:$0x0]  }
0x2: {  	s2 =	rddreg [dreg:$0x1]  }
0x3: {  	s3 =	rddreg [dreg:$0x2]  }
0x4: {  	s4 =	rddreg [dreg:$0x3]  }
0x5: {  	s0 =	rddreg [dreg:$0x4];
	s1 =	stileid.u32  }
0x6: {  	s5 =	simm.s32 $0x0;
	s8 =	srdreg.scid;
	s14 =	simm.s32 $0x1880  }
0x7: {  	s15 =	simm.s32 $0x3100;
	s16 =	simm.s32 $0x3180;
	s18 =	simm.s32 $0x3A00  }
0x8: {  	s19 =	simm.s32 $0x4200;
	s20 =	simm.s32 $0x0;
	s6 =	smul.u32 $0x1880, s1  }
0x9: {  	[smem:$0x7FF] =	sst s5;
	s13 =	sand.u32 $0x1, s8;
	s11 =	sshll.u32 s1, $0x7  }
0xa: {  	_ =	strace $0x80000047;
	s9 =	ssub.s32 $0x2, s13;
	s17 =	sor.u32 s1, s13  }
.Ltmp0:
0xb: {  	p0 =	sne.s32 s13, $0x0;
	s13 =	simm.s32 $0x1;
	(pc) =	sbr.rel .LBB2_1-.Ltmp0, $4  }
0xc: {  	s30 =	sshrl.u32 s6, $0x3;
	s31 =	sshrl.u32 s9, $0x1;
	p1 =	sne.s32 s17, $0x0  }
0xd: {  	s17 =	simm.s32 $0x3200;
	s10 =	sadd.s32 s30, s7;
	s7 =	sadd.s32 $0x31B600, s7  }
0xe: {  	v0 =	vimm.f32 $-1.000000000e+00;
	s12 =	ssub.s32 s9, s31;
	s8 =	sadd.s32 $0x6800, s10;
	s9 =	sadd.s32 $0x400, s10  }
0xf: {  	v1 =	vimm.s32 $0x40000000;
	v2 =	vimm.f32 $0.0e+00;
	v3 =	vlaneseq.u32;
	s10 =	sadd.s32 s11, s3;
	s11 =	sadd.s32 s11, s4;
	s12 =	smax.u32 s12, $0x1  }
.LBB2_10:
0x10: {  	[spmem:s10] =	stream.linear.scatter [tilespmem:s15], [sflag:$0x1], $0x80, $0x38;
	[tilespmem:$0x6280] =	vst v63  }
0x11: {  	_ =	swait.ge [sflag:s13], $0x80  }
0x12: {  	[sflag:s13] =	ssyncset.done $0x0  }
0x13: {  	[sflag:s13] =	ssyncadd.s32 $0xFFFFFF80  }
0x14: {  	[spmem:s11] =	stream.linear.scatter [tilespmem:s16], [sflag:$0x1], $0x80, $0x38;
	[tilespmem:$0x6280] =	vst v63  }
0x15: {  	_ =	swait.ge [sflag:s13], $0x80  }
0x16: {  	[sflag:s13] =	ssyncset.done $0x0  }
0x17: {  	[sflag:s13] =	ssyncadd.s32 $0xFFFFFF80  }
.LBB2_11:
.Ltmp1:
0x18: {  	(pc) =	sbr.rel @!p1 .LBB2_12-.Ltmp1, $2  }
0x19: {  	_ =	sdelay $0x1  }
0x1a: {  	[bflag:$0x0] =	sbarrier.arrive $0xFFFF;
	_ =	sdelay $0x1  }
.LBB2_13:
0x1b: {  	s20 =	sadd.s32 $0x1, s20  }
0x1c: {  	p2 =	sne.s32 s20, s12  }
.Ltmp2:
0x1d: {  	_ = 	snop;
	(pc) =	sbr.rel @!p2 .LBB2_14-.Ltmp2, $1  }
0x1e: {  	_ =	sdelay $0x3  }
.LBB2_1:
.Ltmp3:
0x1f: {  	(pc) =	sbr.rel @p0 .LBB2_11-.Ltmp3, $1  }
0x20: {  	_ =	sdelay $0x3  }
0x21: {  	s21 =	simm.s32 $0x0  }
0x22: {  	[tilespmem:s21], [sflag:$0x1] =	stream.linear.gather [hbm4b:s8+s21], $0x1880, $0x38;
	[tilespmem:$0x6280] =	vst v63  }
0x23: {  	_ =	swait.ge [sflag:s13], $0x1880  }
0x24: {  	[sflag:s13] =	ssyncset.done $0x0  }
0x25: {  	[sflag:s13] =	ssyncadd.s32 $0xFFFFE780  }
0x26: {  	[tilespmem:s14], [sflag:$0x1] =	stream.linear.gather [hbm4b:s9+s21], $0x1880, $0x38;
	[tilespmem:$0x6280] =	vst v63  }
0x27: {  	_ =	swait.ge [sflag:s13], $0x1880  }
0x28: {  	[sflag:s13] =	ssyncset.done $0x0  }
0x29: {  	[sflag:s13] =	ssyncadd.s32 $0xFFFFE780  }
0x2a: {  	[tilespmem:$0x3100] =	vst v0  }
0x2b: {  	[tilespmem:$0x3180] =	vst v1  }
0x2c: {  	[tilespmem:$0x3110] =	vst v0  }
.Ltmp4:
0x2d: {  	[tilespmem:$0x3190] =	vst v1;
	(pc) =	sbr.rel .LBB2_3-.Ltmp4, $4  }
0x2e: {  	[tilespmem:$0x3120] =	vst v0  }
0x2f: {  	[tilespmem:$0x31A0] =	vst v1  }
0x30: {  	[tilespmem:$0x3130] =	vst v0  }
0x31: {  	[tilespmem:$0x31B0] =	vst v1  }
.LBB2_5:
0x32: {  	s21 =	sadd.s32 $0x1, s21  }
0x33: {  	p2 =	sne.s32 s21, $0x188  }
.Ltmp5:
0x34: {  	_ = 	snop;
	(pc) =	sbr.rel @!p2 .LBB2_6-.Ltmp5, $1  }
0x35: {  	_ =	sdelay $0x3  }
.LBB2_3:
0x36: {  	s22 =	sshll.u32 s21, $0x4  }
0x37: {  	v4 =	vld [tilespmem:s22+$0x1880];
	_ =	sdelay $0x6  }
0x38: {  	v5 =	vld [tilespmem:s22+$0x0]  }
0x39: {  	v6 =	vld.idx.msk [tilespmem:v4+s15+$0x0], $0xffff;
	_ =	sdelay $0x4  }
0x3a: {  	vm0 =	vgt.f32 v5, v6  }
0x3b: {  	v6 =	vsel vm0, $0x3F800000, v2  }
0x3c: {  	(xrf0) =	vmax.scan.msk.f32 $0xffff, v6;
	_ =	sdelay $0x5  }
0x3d: {  	v6, _, _ =	vpop (xrf0)  }
0x3e: {  	(v2sf) =	vpush v6, $0xF;
	_ =	sdelay $0xe  }
0x3f: {  	s31 =	spop (v2sf)  }
0x40: {  	p2 =	sgt.f32 s31, $0.0e+00  }
.Ltmp6:
0x41: {  	_ = 	snop;
	(pc) =	sbr.rel @!p2 .LBB2_5-.Ltmp6, $1  }
0x42: {  	_ =	sdelay $0x3  }
.LBB2_4:
0x43: {  	v6 =	vld.idx.msk [tilespmem:v4+s15+$0x0], $0xffff;
	_ =	sdelay $0x4  }
0x44: {  	vm0 =	vgt.f32 v5, v6;
	_ =	sdelay $0x5  }
0x45: {  	[tilespmem:v4+s15+$0x0] =	vst.idx.msk vm0, v5  }
0x46: {  	v6 =	vld.idx.msk [tilespmem:v4+s15+$0x0], $0xffff;
	_ =	sdelay $0x4  }
0x47: {  	vm15 =	vgt.f32 v5, v6  }
0x48: {  	v6 =	vsel vm15, $0x3F800000, v2  }
0x49: {  	(xrf0) =	vmax.scan.msk.f32 $0xffff, v6;
	_ =	sdelay $0x5  }
0x4a: {  	v6, _, _ =	vpop (xrf0)  }
0x4b: {  	(v2sf) =	vpush v6, $0xF;
	_ =	sdelay $0xe  }
0x4c: {  	s22 =	spop (v2sf)  }
0x4d: {  	p2 =	sgt.f32 s22, $0.0e+00  }
.Ltmp7:
0x4e: {  	_ = 	snop;
	(pc) =	sbr.rel @p2 .LBB2_4-.Ltmp7, $1  }
0x4f: {  	_ =	sdelay $0x3  }
.Ltmp8:
0x50: {  	_ = 	snop;
	(pc) =	sbr.rel .LBB2_5-.Ltmp8, $1  }
0x51: {  	_ =	sdelay $0x3  }
.LBB2_6:
.Ltmp9:
0x52: {  	(pc) =	sbr.rel .LBB2_7-.Ltmp9, $2  }
0x53: {  	_ =	sdelay $0x2  }
0x54: {  	s21 =	simm.s32 $0x0  }
.LBB2_9:
0x55: {  	s21 =	sadd.s32 $0x1, s21  }
0x56: {  	p2 =	sne.s32 s21, $0x188  }
.Ltmp10:
0x57: {  	_ = 	snop;
	(pc) =	sbr.rel @!p2 .LBB2_10-.Ltmp10, $1  }
0x58: {  	_ =	sdelay $0x3  }
.LBB2_7:
0x59: {  	s22 =	sshll.u32 s21, $0x4  }
0x5a: {  	v4 =	vld [tilespmem:s22+$0x1880];
	_ =	sdelay $0x6  }
0x5b: {  	v6 =	vld [tilespmem:s22+$0x0]  }
0x5c: {  	v7 =	vld.idx.msk [tilespmem:v4+s15+$0x0], $0xffff  }
0x5d: {  	v8 =	vld.idx.msk [tilespmem:v4+s16+$0x0], $0xffff;
	_ =	sdelay $0x2  }
0x5e: {  	s22 =	sadd.s32 s6, s22  }
0x5f: {  	v5 =	vor.u32 s22, v3  }
0x60: {  	vm0 =	veq.f32 v6, v7;
	vm1 =	vlt.s32 v5, v8  }
0x61: {  	vm1 =	vmand vm0, vm1  }
0x62: {  	v6 =	vsel vm1, $0x3F800000, v2  }
0x63: {  	(xrf0) =	vmax.scan.msk.f32 $0xffff, v6;
	_ =	sdelay $0x5  }
0x64: {  	v6, _, _ =	vpop (xrf0)  }
0x65: {  	(v2sf) =	vpush v6, $0xF;
	_ =	sdelay $0xe  }
0x66: {  	s31 =	spop (v2sf)  }
0x67: {  	p2 =	sgt.f32 s31, $0.0e+00  }
.Ltmp11:
0x68: {  	_ = 	snop;
	(pc) =	sbr.rel @!p2 .LBB2_9-.Ltmp11, $1  }
0x69: {  	_ =	sdelay $0x3  }
.LBB2_8:
0x6a: {  	v6 =	vld.idx.msk [tilespmem:v4+s16+$0x0], $0xffff;
	_ =	sdelay $0x4  }
0x6b: {  	vm1 =	vlt.s32 v5, v6  }
0x6c: {  	vm1 =	vmand vm0, vm1;
	_ =	sdelay $0x5  }
0x6d: {  	[tilespmem:v4+s16+$0x0] =	vst.idx.msk vm1, v5  }
0x6e: {  	v6 =	vld.idx.msk [tilespmem:v4+s16+$0x0], $0xffff;
	_ =	sdelay $0x4  }
0x6f: {  	vm1 =	vlt.s32 v5, v6  }
0x70: {  	vm1 =	vmand vm0, vm1  }
0x71: {  	v6 =	vsel vm1, $0x3F800000, v2  }
0x72: {  	(xrf0) =	vmax.scan.msk.f32 $0xffff, v6;
	_ =	sdelay $0x5  }
0x73: {  	v6, _, _ =	vpop (xrf0)  }
0x74: {  	(v2sf) =	vpush v6, $0xF;
	_ =	sdelay $0xe  }
0x75: {  	s22 =	spop (v2sf)  }
0x76: {  	p2 =	sgt.f32 s22, $0.0e+00  }
.Ltmp12:
0x77: {  	_ = 	snop;
	(pc) =	sbr.rel @p2 .LBB2_8-.Ltmp12, $1  }
0x78: {  	_ =	sdelay $0x3  }
.Ltmp13:
0x79: {  	_ = 	snop;
	(pc) =	sbr.rel .LBB2_9-.Ltmp13, $1  }
0x7a: {  	_ =	sdelay $0x3  }
.LBB2_12:
0x7b: {  	[tilespmem:s17], [sflag:$0x1] =	stream.linear.gather [spmem:s3], $0x800, $0x38;
	[tilespmem:$0x6280] =	vst v63  }
0x7c: {  	_ =	swait.ge [sflag:s13], $0x800  }
0x7d: {  	[sflag:s13] =	ssyncset.done $0x0  }
0x7e: {  	[sflag:s13] =	ssyncadd.s32 $0xFFFFF800  }
0x7f: {  	[tilespmem:s18], [sflag:$0x1] =	stream.linear.gather [spmem:s4], $0x800, $0x38;
	[tilespmem:$0x6280] =	vst v63  }
0x80: {  	_ =	swait.ge [sflag:s13], $0x800  }
0x81: {  	[sflag:s13] =	ssyncset.done $0x0  }
0x82: {  	[sflag:s13] =	ssyncadd.s32 $0xFFFFF800  }
0x83: {  	v4 =	vld [tilespmem:$0x3200]  }
0x84: {  	v5 =	vld [tilespmem:$0x3A00]  }
0x85: {  	v6 =	vld [tilespmem:$0x3280]  }
0x86: {  	v7 =	vld [tilespmem:$0x3A80];
	_ =	sdelay $0x2  }
0x87: {  	v8 =	vld [tilespmem:$0x3300]  }
0x88: {  	v9 =	vld [tilespmem:$0x3B00]  }
0x89: {  	vm0 =	veq.f32 v6, v4;
	vm1 =	vlt.s32 v7, v5  }
0x8a: {  	vm2 =	vgt.f32 v6, v4;
	vm0 =	vmand vm0, vm1  }
0x8b: {  	v10 =	vld [tilespmem:$0x3380];
	vm0 =	vmor vm2, vm0  }
0x8c: {  	v33 =	vld [tilespmem:$0x3B80];
	v4 =	vsel vm0, v6, v4;
	v5 =	vsel vm0, v7, v5  }
0x8d: {  	vm14 =	veq.f32 v8, v4;
	vm15 =	vlt.s32 v9, v5  }
0x8e: {  	vm4 =	vgt.f32 v8, v4;
	vm0 =	vmand vm14, vm15  }
0x8f: {  	v34 =	vld [tilespmem:$0x3400];
	vm0 =	vmor vm4, vm0  }
0x90: {  	v35 =	vld [tilespmem:$0x3C00];
	v4 =	vsel vm0, v8, v4;
	v5 =	vsel vm0, v9, v5  }
0x91: {  	vm5 =	veq.f32 v10, v4;
	vm6 =	vlt.s32 v33, v5  }
0x92: {  	vm7 =	vgt.f32 v10, v4;
	vm0 =	vmand vm5, vm6  }
0x93: {  	v36 =	vld [tilespmem:$0x3480];
	vm0 =	vmor vm7, vm0  }
0x94: {  	v37 =	vld [tilespmem:$0x3C80];
	v4 =	vsel vm0, v10, v4;
	v5 =	vsel vm0, v33, v5  }
0x95: {  	v38 =	vld [tilespmem:$0x3500];
	vm8 =	veq.f32 v34, v4;
	vm9 =	vlt.s32 v35, v5  }
0x96: {  	v39 =	vld [tilespmem:$0x3D00];
	vm10 =	vgt.f32 v34, v4;
	vm0 =	vmand vm8, vm9  }
0x97: {  	v40 =	vld [tilespmem:$0x3580];
	vm0 =	vmor vm10, vm0  }
0x98: {  	v12 =	vld [tilespmem:$0x3210];
	v4 =	vsel vm0, v34, v4;
	v5 =	vsel vm0, v35, v5  }
0x99: {  	v43 =	vld [tilespmem:$0x3A10];
	vm11 =	veq.f32 v36, v4;
	vm12 =	vlt.s32 v37, v5  }
0x9a: {  	v44 =	vld [tilespmem:$0x3290];
	vm13 =	vgt.f32 v36, v4;
	vm0 =	vmand vm11, vm12  }
0x9b: {  	v13 =	vld [tilespmem:$0x3A90];
	vm0 =	vmor vm13, vm0  }
0x9c: {  	v41 =	vld [tilespmem:$0x3D80];
	v4 =	vsel vm0, v36, v4;
	v5 =	vsel vm0, v37, v5  }
0x9d: {  	vm14 =	veq.f32 v38, v4;
	vm15 =	vlt.s32 v39, v5  }
0x9e: {  	v42 =	vld [tilespmem:$0x3600];
	vm4 =	vgt.f32 v38, v4;
	vm0 =	vmand vm14, vm15  }
0x9f: {  	v11 =	vld [tilespmem:$0x3E00];
	vm3 =	vgt.f32 v44, v12;
	vm11 =	veq.f32 v44, v12;
	vm0 =	vmor vm4, vm0  }
0xa0: {  	v15 =	vld [tilespmem:$0x3B10];
	vm12 =	vlt.s32 v13, v43;
	v4 =	vsel vm0, v38, v4;
	v5 =	vsel vm0, v39, v5  }
0xa1: {  	v46 =	vld [tilespmem:$0x3310];
	vm1 =	vmand vm11, vm12;
	vm5 =	veq.f32 v40, v4;
	vm6 =	vlt.s32 v41, v5  }
0xa2: {  	vm1 =	vmor vm3, vm1;
	vm7 =	vgt.f32 v40, v4;
	vm0 =	vmand vm5, vm6  }
0xa3: {  	v14 =	vld [tilespmem:$0x3680];
	v10 =	vsel vm1, v44, v12;
	vm0 =	vmor vm7, vm0  }
0xa4: {  	v45 =	vld [tilespmem:$0x3E80];
	v7 =	vsel vm1, v13, v43;
	v4 =	vsel vm0, v40, v4;
	v5 =	vsel vm0, v41, v5  }
0xa5: {  	v47 =	vld [tilespmem:$0x3390];
	vm4 =	vlt.s32 v15, v7;
	vm8 =	veq.f32 v42, v4;
	vm9 =	vlt.s32 v11, v5  }
0xa6: {  	v48 =	vld [tilespmem:$0x3B90];
	vm10 =	vgt.f32 v42, v4;
	vm0 =	vmand vm8, vm9;
	vm8 =	veq.f32 v46, v10  }
0xa7: {  	v49 =	vld [tilespmem:$0x3700];
	vm9 =	vgt.f32 v46, v10;
	vm0 =	vmor vm10, vm0;
	vm3 =	vmand vm8, vm4  }
0xa8: {  	v50 =	vld [tilespmem:$0x3F00];
	v4 =	vsel vm0, v42, v4;
	v5 =	vsel vm0, v11, v5;
	vm10 =	vmor vm9, vm3  }
0xa9: {  	vm13 =	vgt.f32 v14, v4;
	vm14 =	veq.f32 v14, v4;
	vm15 =	vlt.s32 v45, v5  }
0xaa: {  	v16 =	vld [tilespmem:$0x3410];
	v8 =	vsel vm10, v46, v10;
	v7 =	vsel vm10, v15, v7;
	vm1 =	vmand vm14, vm15  }
0xab: {  	v51 =	vld [tilespmem:$0x3C10];
	vm11 =	veq.f32 v47, v8;
	vm0 =	vmor vm13, vm1;
	vm1 =	vlt.s32 v48, v7  }
0xac: {  	v52 =	vld [tilespmem:$0x3780];
	vm13 =	vgt.f32 v47, v8;
	v4 =	vsel vm0, v14, v4;
	v5 =	vsel vm0, v45, v5  }
0xad: {  	v53 =	vld [tilespmem:$0x3F80];
	vm0 =	vmand vm11, vm1;
	vm14 =	veq.f32 v49, v4;
	vm15 =	vlt.s32 v50, v5  }
0xae: {  	v54 =	vld [tilespmem:$0x3490];
	vm12 =	vgt.f32 v49, v4;
	vm0 =	vmor vm13, vm0;
	vm1 =	vmand vm14, vm15  }
0xaf: {  	v55 =	vld [tilespmem:$0x3C90];
	v8 =	vsel vm0, v47, v8;
	v7 =	vsel vm0, v48, v7;
	vm8 =	vmor vm12, vm1  }
0xb0: {  	vm9 =	veq.f32 v16, v8;
	vm10 =	vlt.s32 v51, v7;
	vm11 =	vgt.f32 v16, v8  }
0xb1: {  	v56 =	vld [tilespmem:$0x3510];
	v4 =	vsel vm8, v49, v4;
	vm1 =	vmand vm9, vm10;
	v5 =	vsel vm8, v50, v5  }
0xb2: {  	v57 =	vld [tilespmem:$0x3D10];
	vm12 =	vgt.f32 v52, v4;
	vm1 =	vmor vm11, vm1;
	vm13 =	veq.f32 v52, v4  }
0xb3: {  	v58 =	vld [tilespmem:$0x3800];
	vm14 =	vlt.s32 v53, v5;
	v8 =	vsel vm1, v16, v8;
	v7 =	vsel vm1, v51, v7  }
0xb4: {  	v59 =	vld [tilespmem:$0x4000];
	vm1 =	vmand vm13, vm14;
	vm15 =	veq.f32 v54, v8;
	vm8 =	vlt.s32 v55, v7  }
0xb5: {  	v60 =	vld [tilespmem:$0x3590];
	vm9 =	vgt.f32 v54, v8;
	vm0 =	vmor vm12, vm1;
	vm3 =	vmand vm15, vm8  }
0xb6: {  	v62 =	vld [tilespmem:$0x3D90];
	v4 =	vsel vm0, v52, v4;
	vm10 =	vmor vm9, vm3  }
0xb7: {  	v63 =	vld [tilespmem:$0x3880];
	v5 =	vsel vm0, v53, v5;
	v61 =	vsel vm10, v54, v8;
	v7 =	vsel vm10, v55, v7  }
0xb8: {  	v20 =	vld [tilespmem:$0x4080];
	vm14 =	veq.f32 v58, v4;
	vm11 =	veq.f32 v56, v61;
	vm1 =	vlt.s32 v57, v7  }
0xb9: {  	v21 =	vld [tilespmem:$0x3610];
	vm15 =	vlt.s32 v59, v5;
	vm13 =	vgt.f32 v56, v61;
	vm0 =	vmand vm11, vm1  }
0xba: {  	v22 =	vld [tilespmem:$0x3E10];
	vm12 =	vgt.f32 v58, v4;
	vm1 =	vmand vm14, vm15;
	vm0 =	vmor vm13, vm0  }
0xbb: {  	v23 =	vld [tilespmem:$0x3690];
	vm8 =	vmor vm12, vm1;
	v6 =	vsel vm0, v56, v61;
	v7 =	vsel vm0, v57, v7  }
0xbc: {  	v24 =	vld [tilespmem:$0x3E90];
	v4 =	vsel vm8, v58, v4;
	vm9 =	veq.f32 v60, v6;
	vm10 =	vlt.s32 v62, v7  }
0xbd: {  	v25 =	vld [tilespmem:$0x3900];
	v5 =	vsel vm8, v59, v5;
	vm11 =	vgt.f32 v60, v6;
	vm1 =	vmand vm9, vm10  }
0xbe: {  	v26 =	vld [tilespmem:$0x4100];
	vm12 =	vgt.f32 v63, v4;
	vm13 =	veq.f32 v63, v4;
	vm1 =	vmor vm11, vm1  }
0xbf: {  	v27 =	vld [tilespmem:$0x3710];
	vm14 =	vlt.s32 v20, v5;
	v6 =	vsel vm1, v60, v6;
	v7 =	vsel vm1, v62, v7  }
0xc0: {  	v28 =	vld [tilespmem:$0x3F10];
	vm1 =	vmand vm13, vm14;
	vm15 =	veq.f32 v21, v6;
	vm8 =	vlt.s32 v22, v7  }
0xc1: {  	v29 =	vld [tilespmem:$0x3980];
	vm9 =	vgt.f32 v21, v6;
	vm0 =	vmor vm12, vm1;
	vm3 =	vmand vm15, vm8  }
0xc2: {  	v30 =	vld [tilespmem:$0x4180];
	v4 =	vsel vm0, v63, v4;
	vm10 =	vmor vm9, vm3  }
0xc3: {  	v33 =	vld [tilespmem:$0x3220];
	v5 =	vsel vm0, v20, v5;
	v6 =	vsel vm10, v21, v6;
	v7 =	vsel vm10, v22, v7  }
0xc4: {  	v34 =	vld [tilespmem:$0x3A20];
	vm14 =	veq.f32 v25, v4;
	vm11 =	veq.f32 v23, v6;
	vm1 =	vlt.s32 v24, v7  }
0xc5: {  	v35 =	vld [tilespmem:$0x32A0];
	vm15 =	vlt.s32 v26, v5;
	vm13 =	vgt.f32 v23, v6;
	vm0 =	vmand vm11, vm1  }
0xc6: {  	v36 =	vld [tilespmem:$0x3AA0];
	vm12 =	vgt.f32 v25, v4;
	vm1 =	vmand vm14, vm15;
	vm0 =	vmor vm13, vm0  }
0xc7: {  	v31 =	vld [tilespmem:$0x3790];
	vm7 =	vmor vm12, vm1;
	v6 =	vsel vm0, v23, v6;
	v7 =	vsel vm0, v24, v7  }
0xc8: {  	v32 =	vld [tilespmem:$0x3F90];
	v4 =	vsel vm7, v25, v4;
	v5 =	vsel vm7, v26, v5;
	vm8 =	veq.f32 v27, v6  }
0xc9: {  	vm9 =	vlt.s32 v28, v7;
	vm10 =	vgt.f32 v27, v6;
	vm11 =	vgt.f32 v29, v4  }
0xca: {  	v17 =	vld [tilespmem:$0x4010];
	vm12 =	veq.f32 v29, v4;
	vm13 =	vlt.s32 v30, v5;
	vm1 =	vmand vm8, vm9  }
0xcb: {  	v18 =	vld [tilespmem:$0x3320];
	vm9 =	veq.f32 v35, v33;
	vm1 =	vmor vm10, vm1;
	vm10 =	vlt.s32 v36, v34  }
0xcc: {  	v19 =	vld [tilespmem:$0x33A0];
	v6 =	vsel vm1, v27, v6;
	v7 =	vsel vm1, v28, v7;
	vm1 =	vmand vm12, vm13  }
0xcd: {  	v37 =	vld [tilespmem:$0x3810];
	vm12 =	vgt.f32 v35, v33;
	vm14 =	veq.f32 v31, v6;
	vm15 =	vlt.s32 v32, v7  }
0xce: {  	v43 =	vld [tilespmem:$0x4110];
	vm7 =	vgt.f32 v31, v6;
	vm0 =	vmor vm11, vm1;
	vm1 =	vmand vm9, vm10  }
0xcf: {  	v38 =	vld [tilespmem:$0x3B20];
	vm3 =	vmand vm14, vm15;
	v4 =	vsel vm0, v29, v4;
	vm1 =	vmor vm12, vm1  }
0xd0: {  	v39 =	vld [tilespmem:$0x3890];
	v5 =	vsel vm0, v30, v5;
	vm8 =	vmor vm7, vm3;
	v11 =	vsel vm1, v35, v33  }
0xd1: {  	v40 =	vld [tilespmem:$0x4090];
	v9 =	vsel vm1, v36, v34;
	v6 =	vsel vm8, v31, v6;
	v7 =	vsel vm8, v32, v7  }
0xd2: {  	v44 =	vld [tilespmem:$0x3420];
	vm4 =	vgt.f32 v4, $-5.000000000e-01;
	vm13 =	veq.f32 v37, v6;
	vm14 =	vlt.s32 v17, v7  }
0xd3: {  	v41 =	vld [tilespmem:$0x3BA0];
	vm8 =	veq.f32 v18, v11;
	vm11 =	vgt.f32 v37, v6;
	vm2 =	vmand vm13, vm14  }
0xd4: {  	v42 =	vld [tilespmem:$0x3910];
	vm9 =	vlt.s32 v38, v9;
	vm10 =	vgt.f32 v18, v11;
	vm15 =	vmor vm11, vm2  }
0xd5: {  	v47 =	vld [tilespmem:$0x3230];
	vm2 =	vmand vm8, vm9;
	v6 =	vsel vm15, v37, v6;
	v7 =	vsel vm15, v17, v7  }
0xd6: {  	v50 =	vld [tilespmem:$0x32B0];
	vm2 =	vmor vm10, vm2;
	vm11 =	veq.f32 v39, v6;
	vm12 =	vlt.s32 v40, v7  }
0xd7: {  	v45 =	vld [tilespmem:$0x3C20];
	v11 =	vsel vm2, v18, v11;
	v9 =	vsel vm2, v38, v9;
	vm15 =	vgt.f32 v39, v6  }
0xd8: {  	v49 =	vld [tilespmem:$0x3A30];
	vm1 =	vmand vm11, vm12;
	vm13 =	veq.f32 v19, v11;
	vm14 =	vlt.s32 v41, v9  }
0xd9: {  	v51 =	vld [tilespmem:$0x3AB0];
	vm7 =	vgt.f32 v19, v11;
	vm2 =	vmand vm13, vm14;
	vm8 =	vmor vm15, vm1  }
0xda: {  	v5 =	vnsel vm4, $0x0, v5;
	vm9 =	vmor vm7, vm2;
	v6 =	vsel vm8, v39, v6  }
0xdb: {  	v7 =	vsel vm8, v40, v7;
	vm8 =	veq.f32 v50, v47;
	v48 =	vsel vm9, v19, v11  }
0xdc: {  	v46 =	vld [tilespmem:$0x34A0];
	v9 =	vsel vm9, v41, v9;
	vm11 =	vgt.f32 v42, v6;
	vm13 =	veq.f32 v42, v6  }
0xdd: {  	v20 =	vld [tilespmem:$0x3CA0];
	vm14 =	vlt.s32 v43, v7;
	vm10 =	veq.f32 v44, v48;
	vm1 =	vlt.s32 v45, v9  }
0xde: {  	v54 =	vld [tilespmem:$0x3330];
	vm9 =	vlt.s32 v51, v49;
	vm12 =	vgt.f32 v44, v48;
	vm0 =	vmand vm10, vm1  }
0xdf: {  	v55 =	vld [tilespmem:$0x3B30];
	vm2 =	vmand vm8, vm9;
	vm10 =	vgt.f32 v50, v47;
	vm0 =	vmor vm12, vm0  }
0xe0: {  	vm1 =	vmand vm13, vm14;
	vm2 =	vmor vm10, vm2;
	v8 =	vsel vm0, v44, v48  }
0xe1: {  	v52 =	vld [tilespmem:$0x3520];
	v9 =	vsel vm0, v45, v9;
	vm0 =	vmor vm11, vm1;
	v12 =	vsel vm2, v50, v47  }
0xe2: {  	v53 =	vld [tilespmem:$0x3D20];
	v11 =	vsel vm2, v51, v49;
	vm15 =	veq.f32 v46, v8;
	vm6 =	vlt.s32 v20, v9  }
0xe3: {  	v56 =	vld [tilespmem:$0x33B0];
	v6 =	vsel vm0, v42, v6;
	vm7 =	vgt.f32 v46, v8;
	vm13 =	veq.f32 v54, v12  }
0xe4: {  	v57 =	vld [tilespmem:$0x3BB0];
	vm14 =	vlt.s32 v55, v11;
	v7 =	vsel vm0, v43, v7;
	vm1 =	vmand vm15, vm6  }
0xe5: {  	v58 =	vld [tilespmem:$0x35A0];
	vm2 =	vmand vm13, vm14;
	vm6 =	vgt.f32 v54, v12;
	vm1 =	vmor vm7, vm1  }
0xe6: {  	v59 =	vld [tilespmem:$0x3DA0];
	vm8 =	vmor vm6, vm2;
	v8 =	vsel vm1, v46, v8;
	v9 =	vsel vm1, v20, v9  }
0xe7: {  	v61 =	vsel vm8, v54, v12;
	vm11 =	veq.f32 v52, v8;
	vm12 =	vlt.s32 v53, v9  }
0xe8: {  	v60 =	vld [tilespmem:$0x3430];
	v11 =	vsel vm8, v55, v11;
	vm15 =	vgt.f32 v52, v8;
	vm1 =	vmand vm11, vm12  }
0xe9: {  	v62 =	vld [tilespmem:$0x3C30];
	vm9 =	veq.f32 v56, v61;
	vm11 =	vgt.f32 v56, v61;
	vm7 =	vmor vm15, vm1  }
0xea: {  	v63 =	vld [tilespmem:$0x3620];
	vm1 =	vlt.s32 v57, v11;
	v19 =	vsel vm7, v52, v8;
	v9 =	vsel vm7, v53, v9  }
0xeb: {  	v24 =	vld [tilespmem:$0x3E20];
	vm0 =	vmand vm9, vm1;
	vm12 =	veq.f32 v58, v19;
	vm13 =	vlt.s32 v59, v9  }
0xec: {  	v25 =	vld [tilespmem:$0x34B0];
	vm10 =	vgt.f32 v58, v19;
	vm0 =	vmor vm11, vm0;
	vm1 =	vmand vm12, vm13  }
0xed: {  	v26 =	vld [tilespmem:$0x3CB0];
	v18 =	vsel vm0, v56, v61;
	v11 =	vsel vm0, v57, v11;
	vm14 =	vmor vm10, vm1  }
0xee: {  	v27 =	vld [tilespmem:$0x3990];
	vm15 =	veq.f32 v60, v18;
	vm6 =	vlt.s32 v62, v11;
	vm7 =	vgt.f32 v60, v18  }
0xef: {  	v28 =	vld [tilespmem:$0x3530];
	v15 =	vsel vm14, v58, v19;
	vm1 =	vmand vm15, vm6;
	v9 =	vsel vm14, v59, v9  }
0xf0: {  	v29 =	vld [tilespmem:$0x3D30];
	vm8 =	vgt.f32 v63, v15;
	vm9 =	vmor vm7, vm1;
	vm10 =	veq.f32 v63, v15  }
0xf1: {  	v30 =	vld [tilespmem:$0x36A0];
	vm11 =	vlt.s32 v24, v9;
	v16 =	vsel vm9, v60, v18;
	v11 =	vsel vm9, v62, v11  }
0xf2: {  	v31 =	vld [tilespmem:$0x3EA0];
	vm1 =	vmand vm10, vm11;
	vm12 =	veq.f32 v25, v16;
	vm13 =	vlt.s32 v26, v11  }
0xf3: {  	v21 =	vld [tilespmem:$0x35B0];
	vm5 =	vgt.f32 v25, v16;
	vm1 =	vmor vm8, vm1;
	vm3 =	vmand vm12, vm13  }
0xf4: {  	v34 =	vld [tilespmem:$0x4190];
	vm0 =	veq.f32 v27, v6;
	v10 =	vsel vm1, v63, v15;
	vm14 =	vmor vm5, vm3  }
0xf5: {  	v33 =	vld [tilespmem:$0x3DB0];
	v9 =	vsel vm1, v24, v9;
	v32 =	vsel vm14, v25, v16;
	v11 =	vsel vm14, v26, v11  }
0xf6: {  	v35 =	vld [tilespmem:$0x3720];
	vm10 =	veq.f32 v30, v10;
	vm15 =	veq.f32 v28, v32;
	vm2 =	vlt.s32 v29, v11  }
0xf7: {  	v36 =	vld [tilespmem:$0x3F20];
	vm11 =	vlt.s32 v31, v9;
	vm9 =	vgt.f32 v28, v32;
	vm1 =	vmand vm15, vm2  }
0xf8: {  	vm8 =	vgt.f32 v30, v10;
	vm2 =	vmand vm10, vm11;
	vm1 =	vmor vm9, vm1  }
0xf9: {  	vm12 =	vmor vm8, vm2;
	vm8 =	vlt.s32 v34, v7;
	v15 =	vsel vm1, v28, v32  }
0xfa: {  	v37 =	vld [tilespmem:$0x3630];
	v11 =	vsel vm1, v29, v11;
	v10 =	vsel vm12, v30, v10;
	v9 =	vsel vm12, v31, v9  }
0xfb: {  	v38 =	vld [tilespmem:$0x3E30];
	vm0 =	vmand vm0, vm8;
	vm13 =	veq.f32 v21, v15;
	vm14 =	vlt.s32 v33, v11  }
0xfc: {  	v39 =	vld [tilespmem:$0x37A0];
	vm15 =	vgt.f32 v21, v15;
	vm11 =	veq.f32 v35, v10;
	vm12 =	vlt.s32 v36, v9  }
0xfd: {  	v40 =	vld [tilespmem:$0x3FA0];
	vm10 =	vgt.f32 v35, v10;
	vm2 =	vmand vm13, vm14;
	vm13 =	vmand vm11, vm12  }
0xfe: {  	v41 =	vld [tilespmem:$0x36B0];
	vm9 =	vmor vm15, vm2;
	vm1 =	vmor vm10, vm13;
	vm13 =	vgt.f32 v27, v6  }
0xff: {  	v42 =	vld [tilespmem:$0x3EB0];
	v15 =	vsel vm9, v21, v15;
	v11 =	vsel vm9, v33, v11;
	v10 =	vsel vm1, v35, v10  }
0x100: {  	v9 =	vsel vm1, v36, v9;
	vm14 =	veq.f32 v37, v15;
	vm15 =	vlt.s32 v38, v11  }
0x101: {  	v44 =	vld [tilespmem:$0x3F30];
	vm0 =	vmor vm13, vm0;
	vm6 =	vgt.f32 v37, v15;
	vm3 =	vmand vm14, vm15  }
0x102: {  	v45 =	vld [tilespmem:$0x3820];
	vm8 =	veq.f32 v39, v10;
	vm9 =	vlt.s32 v40, v9;
	vm7 =	vmor vm6, vm3  }
0x103: {  	v43 =	vld [tilespmem:$0x3730];
	vm1 =	vmand vm8, vm9;
	v12 =	vsel vm7, v37, v15;
	v11 =	vsel vm7, v38, v11  }
0x104: {  	v46 =	vld [tilespmem:$0x4020];
	vm14 =	vgt.f32 v39, v10;
	vm10 =	veq.f32 v41, v12;
	vm11 =	vlt.s32 v42, v11  }
0x105: {  	vm1 =	vmor vm14, vm1;
	vm12 =	vgt.f32 v41, v12;
	vm3 =	vmand vm10, vm11  }
0x106: {  	v6 =	vsel vm0, v27, v6;
	v10 =	vsel vm1, v39, v10;
	vm2 =	vmor vm12, vm3  }
0x107: {  	v47 =	vld [tilespmem:$0x37B0];
	v9 =	vsel vm1, v40, v9;
	v12 =	vsel vm2, v41, v12;
	v11 =	vsel vm2, v42, v11  }
0x108: {  	v48 =	vld [tilespmem:$0x3FB0];
	vm8 =	veq.f32 v45, v10;
	vm15 =	veq.f32 v43, v12;
	vm6 =	vlt.s32 v44, v11  }
0x109: {  	v49 =	vld [tilespmem:$0x38A0];
	vm9 =	vlt.s32 v46, v9;
	vm7 =	vgt.f32 v43, v12;
	vm2 =	vmand vm15, vm6  }
0x10a: {  	v50 =	vld [tilespmem:$0x40A0];
	vm10 =	vgt.f32 v45, v10;
	vm1 =	vmor vm7, vm2;
	vm2 =	vmand vm8, vm9  }
0x10b: {  	v51 =	vld [tilespmem:$0x3830];
	v7 =	vsel vm0, v34, v7;
	vm5 =	vgt.f32 v6, $-5.000000000e-01;
	vm2 =	vmor vm10, vm2  }
0x10c: {  	v52 =	vld [tilespmem:$0x4030];
	v12 =	vsel vm1, v43, v12;
	v11 =	vsel vm1, v44, v11;
	v10 =	vsel vm2, v45, v10  }
0x10d: {  	v54 =	vld [tilespmem:$0x38B0];
	vm11 =	veq.f32 v47, v12;
	vm12 =	vlt.s32 v48, v11;
	v9 =	vsel vm2, v46, v9  }
0x10e: {  	v53 =	vld [tilespmem:$0x3920];
	vm13 =	vgt.f32 v47, v12;
	vm1 =	vmand vm11, vm12;
	vm14 =	vgt.f32 v49, v10  }
0x10f: {  	v56 =	vld [tilespmem:$0x4120];
	vm15 =	veq.f32 v49, v10;
	vm7 =	vlt.s32 v50, v9;
	vm1 =	vmor vm13, vm1  }
0x110: {  	v55 =	vld [tilespmem:$0x40B0];
	vm8 =	vmand vm15, vm7;
	v12 =	vsel vm1, v47, v12;
	v11 =	vsel vm1, v48, v11  }
0x111: {  	vm1 =	vmor vm14, vm8;
	vm9 =	veq.f32 v51, v12;
	vm10 =	vlt.s32 v52, v11  }
0x112: {  	vm11 =	vgt.f32 v51, v12;
	v57 =	vsel vm1, v49, v10;
	vm2 =	vmand vm9, vm10  }
0x113: {  	v58 =	vld [tilespmem:$0x3930];
	v9 =	vsel vm1, v50, v9;
	vm12 =	veq.f32 v53, v57;
	vm2 =	vmor vm11, vm2  }
0x114: {  	v59 =	vld [tilespmem:$0x4130];
	vm15 =	vlt.s32 v56, v9;
	v12 =	vsel vm2, v51, v12;
	v11 =	vsel vm2, v52, v11  }
0x115: {  	v60 =	vld [tilespmem:$0x39A0];
	vm9 =	vmand vm12, vm15;
	vm13 =	veq.f32 v54, v12;
	vm14 =	vlt.s32 v55, v11  }
0x116: {  	v61 =	vld [tilespmem:$0x41A0];
	vm11 =	vgt.f32 v53, v57;
	vm8 =	vgt.f32 v54, v12;
	vm2 =	vmand vm13, vm14  }
0x117: {  	[tilespmem:$0x3100] =	vst v4;
	v62 =	vld [tilespmem:$0x39B0];
	v4 =	vnsel vm5, $0x0, v7;
	vm0 =	vmor vm11, vm9;
	vm10 =	vmor vm8, vm2  }
0x118: {  	v63 =	vld [tilespmem:$0x41B0];
	v8 =	vsel vm0, v53, v57;
	v12 =	vsel vm10, v54, v12;
	v11 =	vsel vm10, v55, v11  }
0x119: {  	v9 =	vsel vm0, v56, v9;
	vm12 =	veq.f32 v58, v12;
	vm13 =	vlt.s32 v59, v11  }
0x11a: {  	vm6 =	veq.f32 v60, v8;
	vm14 =	vgt.f32 v58, v12;
	vm1 =	vmand vm12, vm13  }
0x11b: {  	vm7 =	vlt.s32 v61, v9;
	vm9 =	vgt.f32 v60, v8;
	vm15 =	vmor vm14, vm1  }
0x11c: {  	vm8 =	vmand vm6, vm7;
	v10 =	vsel vm15, v58, v12;
	v11 =	vsel vm15, v59, v11  }
0x11d: {  	[tilespmem:$0x3180] =	vst v5;
	vm0 =	vmor vm9, vm8;
	vm10 =	veq.f32 v62, v10;
	vm11 =	vlt.s32 v63, v11  }
0x11e: {  	[tilespmem:$0x3110] =	vst v6;
	v5 =	vsel vm0, v60, v8;
	vm12 =	vgt.f32 v62, v10;
	vm1 =	vmand vm10, vm11  }
0x11f: {  	[tilespmem:$0x3190] =	vst v4;
	v4 =	vsel vm0, v61, v9;
	vm14 =	vgt.f32 v5, $-5.000000000e-01;
	vm13 =	vmor vm12, vm1  }
0x120: {  	[tilespmem:$0x3120] =	vst v5;
	v4 =	vnsel vm14, $0x0, v4;
	v5 =	vsel vm13, v62, v10  }
0x121: {  	[tilespmem:$0x31A0] =	vst v4;
	v4 =	vsel vm13, v63, v11;
	vm15 =	vgt.f32 v5, $-5.000000000e-01  }
0x122: {  	[tilespmem:$0x3130] =	vst v5;
	v4 =	vnsel vm15, $0x0, v4  }
0x123: {  	[tilespmem:$0x31B0] =	vst v4  }
0x124: {  	[hbm4b:s2+s5] =	stream.linear.scatter [tilespmem:s15], [sflag:$0x1], $0x80, $0x38;
	[tilespmem:$0x6280] =	vst v63  }
0x125: {  	_ =	swait.ge [sflag:s13], $0x80  }
0x126: {  	[sflag:s13] =	ssyncset.done $0x0  }
.Ltmp14:
0x127: {  	[sflag:s13] =	ssyncadd.s32 $0xFFFFFF80;
	(pc) =	sbr.rel .LBB2_13-.Ltmp14, $4  }
0x128: {  	[hbm4b:s7+s5] =	stream.linear.scatter [tilespmem:s19], [sflag:$0x1], $0x2000, $0x38;
	[tilespmem:$0x6280] =	vst v63  }
0x129: {  	_ =	swait.ge [sflag:s13], $0x2000  }
0x12a: {  	[sflag:s13] =	ssyncset.done $0x0  }
0x12b: {  	[sflag:s13] =	ssyncadd.s32 $0xFFFFE000  }
.LBB2_14:
0x12c: {  	_ =	sfence.sel $0x180000  }
0x12d: {  	[bflag:$0x0] =	sbarrier.arrive $0xFFFF  }
0x12e: {  	p0 =	sne.s32 s1, $0x0;
	_ =	strace $0x90000047  }
0x12f: {  	s0 =	sadd.s32 @!p0 $0x100000, s0;
	[bflag:$0x2] =	sbarrier.arrive $0xFFFF  }
0x130: {  	[sflag:s0] =	ssyncadd.tile.s32 @!p0 $0x1;
	_ =	shalt  }
.Lfunc_end2:
_tile_overlayer_lowered:
.L_overlay_start_2:
0x131: {  	(tag) =	ssettag $0x2  }
0x132: {  	s0 =	rddreg [dreg:$0x0];
	s2 =	stileid.u32  }
0x133: {  	s1 =	rddreg [dreg:$0x1];
	p0 =	sne.s32 s2, $0x0  }
0x134: {  	s3 =	rddreg [dreg:$0x2];
	[bflag:$0x3] =	sbarrier.arrive $0xFFFF;
	s2 =	simm.s32 @!p0 $0x1C01  }
0x135: {  	[timem:s3], [sflag:s2] =	dma.local @!p0 [hbm:s0], s1  }
0x136: {  	s0 =	simm.s32 @!p0 $0x1  }
0x137: {  	_ =	swait.ge @!p0 [sflag:s0], s1  }
0x138: {  	s1 =	ssub.s32 @!p0 $0x0, s1;
	[sflag:s0] =	ssyncset.done @!p0 $0x0  }
0x139: {  	[sflag:s0] =	ssyncadd.s32 @!p0 s1  }
0x13a: {  	[bflag:$0x3] =	sbarrier.arrive $0xFFFF  }
0x13b: {  	_ =	shalt  }

</sc_bundles>
